<compile_context>
chip_gen: v7x
topology: tpu7x:2x2x1
jax: 0.10.2.dev20260603
libtpu: 0.0.44.dev20260713+nightly
codegen_flags: <defaults>
</compile_context>

<pallas_src>
import functools

import jax
import jax.numpy as jnp
from jax import lax
from jax.experimental import pallas as pl
from jax.experimental.pallas import tpu as pltpu
from jax.experimental.pallas import tpu_sc as plsc

N_NODES = 10000
N_EDGES = 640000
N_IN = 512
N_OUT = 256
ITERATIONS = 150
LEAK = 0.01

NC = 2
NS = 16
NW = NC * NS
L = 16
NPAD = 10240
SHARE = NPAD // NS
ROWS128 = NPAD // 128
RPS = ROWS128 // NS
EPT = N_EDGES // NW
GROUPS = EPT // L
UNROLL = 8
COLBITS = 14
COLMASK = (1 << COLBITS) - 1


def _act(z):
    a = jnp.where(z < 0.0, z * LEAK, z)
    sat = a > 0.5
    xs = jnp.where(sat, a, 1.0)
    return jnp.where(sat, 1.0 - 0.25 / xs, a)


def _sc_body(rc_hbm, w_hbm, bias_hbm, x_hbm, win_hbm, iidx_hbm, oidx_hbm,
             wout_hbm, out_hbm, part_hbm, rc_v, w_v, y_v, acc_v, bin_v,
             psum_v, pprt_v, zb_v, idx80_v, iidx_v, x_v, win_v, oidx_v,
             wout_v, oval_v, sh_sum, sh_y, xsem, dsem, hsem):
    cid = lax.axis_index("c")
    sid = lax.axis_index("s")
    eid = cid * NS + sid
    lo = sid * SHARE
    elo = eid * EPT

    pltpu.sync_copy(rc_hbm.at[pl.ds(elo, EPT)], rc_v)
    pltpu.sync_copy(w_hbm.at[pl.ds(elo, EPT)], w_v)
    pltpu.sync_copy(bias_hbm.at[pl.ds(lo, SHARE)], bin_v)
    pltpu.sync_copy(iidx_hbm, iidx_v)
    pltpu.sync_copy(x_hbm, x_v)
    pltpu.sync_copy(win_hbm, win_v)

    def inproj(g, c):
        ii = iidx_v[pl.ds(g * L, L)]
        v = x_v[pl.ds(g * L, L)] * win_v[pl.ds(g * L, L)]
        m = (ii >= lo) & (ii < lo + SHARE)
        iloc = jnp.where(m, ii - lo, 0)
        plsc.addupdate_scatter(bin_v, [iloc], jnp.where(m, v, 0.0), mask=m)
        return c

    lax.fori_loop(0, N_IN // L, inproj, 0)

    zeros = jnp.zeros((L,), jnp.float32)
    lanes = lax.iota(jnp.int32, L)

    def init_bufs(i, c):
        y_v[pl.ds(i * L, L)] = zeros
        r = i >> 3
        acc_v[r, pl.ds((i & 7) * L, L)] = zeros
        return c

    lax.fori_loop(0, NPAD // L, init_bufs, 0)

    def init_zb(i, c):
        zb_v[i >> 3, pl.ds((i & 7) * L, L)] = zeros
        return c

    lax.fori_loop(0, RPS * 8, init_zb, 0)

    def init_idx(g, c):
        idx80_v[pl.ds(g * L, L)] = lanes + g * L
        return c

    lax.fori_loop(0, ROWS128 // L, init_idx, 0)

    pltpu.sync_copy(zb_v, sh_sum.at[pl.ds(sid * RPS, RPS)])

    def iteration(it, c):
        @plsc.parallel_loop(0, GROUPS, unroll=UNROLL)
        def egrp(g):
            base = g * L
            rc = rc_v[pl.ds(base, L)]
            col = rc & COLMASK
            row = rc >> COLBITS
            yv = plsc.load_gather(y_v, [col])
            wv = w_v[pl.ds(base, L)]
            plsc.addupdate_scatter(acc_v, [row >> 7, row & 127], yv * wv)

        pltpu.sync_copy(acc_v, sh_sum.at[idx80_v], add=True)
        plsc.subcore_barrier()
        pltpu.sync_copy(sh_sum.at[pl.ds(sid * RPS, RPS)], psum_v)

        par = lax.rem(it, 2)
        pltpu.sync_copy(psum_v, part_hbm.at[par, cid, sid])
        pltpu.semaphore_signal(xsem, 1, core_index=1 - cid)
        pltpu.sync_copy(zb_v, sh_sum.at[pl.ds(sid * RPS, RPS)])
        pl.semaphore_wait(xsem, 1)
        pltpu.sync_copy(part_hbm.at[par, 1 - cid, sid], pprt_v)

        HALF = SHARE // 2

        @plsc.parallel_loop(0, SHARE // L // 2, unroll=4)
        def red2a(g):
            r = g >> 3
            cc = (g & 7) * L
            z = (psum_v[r, pl.ds(cc, L)] + pprt_v[r, pl.ds(cc, L)]
                 + bin_v[pl.ds(g * L, L)])
            y_v[pl.ds(lo + g * L, L)] = _act(z)

        dpub = pltpu.async_copy(y_v.at[pl.ds(lo, HALF)],
                                sh_y.at[pl.ds(lo, HALF)], hsem)

        @plsc.parallel_loop(SHARE // L // 2, SHARE // L, unroll=4)
        def red2b(g):
            r = g >> 3
            cc = (g & 7) * L
            z = (psum_v[r, pl.ds(cc, L)] + pprt_v[r, pl.ds(cc, L)]
                 + bin_v[pl.ds(g * L, L)])
            y_v[pl.ds(lo + g * L, L)] = _act(z)

        pltpu.sync_copy(y_v.at[pl.ds(lo + HALF, HALF)],
                        sh_y.at[pl.ds(lo + HALF, HALF)])
        dpub.wait()
        plsc.subcore_barrier()
        desc = pltpu.async_copy(sh_y, y_v, dsem)

        @plsc.parallel_loop(0, ROWS128, unroll=8)
        def zero_acc(r):
            for u in range(8):
                acc_v[r, pl.ds(u * L, L)] = zeros

        desc.wait()
        return c

    lax.fori_loop(0, ITERATIONS, iteration, 0)

    @pl.when(cid == 0)
    def _():
        pltpu.sync_copy(oidx_hbm.at[pl.ds(sid * L, L)], oidx_v)
        pltpu.sync_copy(wout_hbm.at[pl.ds(sid * L, L)], wout_v)
        oi = oidx_v[pl.ds(0, L)]
        ov = plsc.load_gather(y_v, [oi]) * wout_v[pl.ds(0, L)]
        oval_v[pl.ds(0, L)] = ov
        pltpu.sync_copy(oval_v, out_hbm.at[pl.ds(sid * L, L)])


_sc_kernel = functools.partial(
    pl.kernel,
    out_type=(jax.ShapeDtypeStruct((N_OUT,), jnp.float32),
              jax.ShapeDtypeStruct((2, NC, NS, RPS, 128), jnp.float32)),
    mesh=plsc.VectorSubcoreMesh(
        core_axis_name="c", subcore_axis_name="s", num_cores=NC),
    compiler_params=pltpu.CompilerParams(needs_layout_passes=False),
    scratch_types=[
        pltpu.VMEM((EPT,), jnp.int32),
        pltpu.VMEM((EPT,), jnp.float32),
        pltpu.VMEM((NPAD,), jnp.float32),
        pltpu.VMEM((ROWS128, 128), jnp.float32),
        pltpu.VMEM((SHARE,), jnp.float32),
        pltpu.VMEM((RPS, 128), jnp.float32),
        pltpu.VMEM((RPS, 128), jnp.float32),
        pltpu.VMEM((RPS, 128), jnp.float32),
        pltpu.VMEM((ROWS128,), jnp.int32),
        pltpu.VMEM((N_IN,), jnp.int32),
        pltpu.VMEM((N_IN,), jnp.float32),
        pltpu.VMEM((N_IN,), jnp.float32),
        pltpu.VMEM((L,), jnp.int32),
        pltpu.VMEM((L,), jnp.float32),
        pltpu.VMEM((L,), jnp.float32),
        pltpu.VMEM_SHARED((ROWS128, 128), jnp.float32),
        pltpu.VMEM_SHARED((NPAD,), jnp.float32),
        pltpu.SemaphoreType.REGULAR,
        pltpu.SemaphoreType.DMA,
        pltpu.SemaphoreType.DMA,
    ],
)(_sc_body)


def kernel(x, w_in, w_rec, bias, w_out, rows, cols, in_idx, out_idx):
    rc = rows.astype(jnp.int32) * (1 << COLBITS) + cols.astype(jnp.int32)
    bias_pad = jnp.pad(bias.reshape(-1), (0, NPAD - N_NODES))
    out, _ = _sc_kernel(rc, w_rec, bias_pad, x.reshape(-1), w_in,
                        in_idx, out_idx, w_out)
    return out.reshape(1, N_OUT)

# --- scband reference (transcript-rebuilt; emitter-appended) ---
"""Pipeline reference for scband-bionetwork-model-11098195492961 (READ-ONLY COPY).

The authoritative reference and input builder live on the scoring server;
editing this copy changes nothing except your own understanding.
"""

import jax, jax.numpy as jnp
import numpy as np

N_NODES = 10000
N_EDGES = 640000
N_IN = 512
N_OUT = 256
ITERATIONS = 150
LEAK = 0.01
IN_AMP = 1.0
OUT_AMP = 1.2


def _activation(x):
    # MML activation: leaky below 0, Michaelis-Menten-like saturation above 0.5
    x = jnp.where(x < 0, x * LEAK, x)
    xs = jnp.where(x > 0.5, x, 1.0)  # safe denominator (same forward math)
    x = jnp.where(x > 0.5, 1.0 - 0.25 / xs, x)
    return x


def setup_inputs(seed: int = 0) -> dict:
    rng = np.random.default_rng(0)
    rows = rng.integers(0, N_NODES, size=N_EDGES)
    cols = rng.integers(0, N_NODES, size=N_EDGES)
    # mode of action: row 0 activation, row 1 inhibition (mutually exclusive)
    inh = rng.random(N_EDGES) < 0.3
    # initializeWeights(): magnitude in [0.1, 0.2), negated for inhibitory reactions
    w = 0.1 + 0.1 * rng.random(N_EDGES)
    w[inh] = -w[inh]
    # bias: 0.001 everywhere; 1.0 for nodes whose incoming weights are all negative
    bias = 0.001 * np.ones((N_NODES, 1), dtype=np.float64)
    max_w = np.full(N_NODES, -np.inf)
    np.maximum.at(max_w, rows, w)
    has_in = np.zeros(N_NODES, dtype=bool)
    has_in[rows] = True
    bias[has_in & (max_w < 0), 0] = 1.0
    in_idx = rng.choice(N_NODES, size=N_IN, replace=False)
    out_idx = rng.choice(N_NODES, size=N_OUT, replace=False)
    key = jax.random.key(seed)
    x = jax.random.normal(key, (1, N_IN), dtype=jnp.float32)
    return {
        "x": x,
        "w_in": jnp.full((N_IN,), IN_AMP, dtype=jnp.float32),
        "w_rec": jnp.asarray(w, dtype=jnp.float32),
        "bias": jnp.asarray(bias, dtype=jnp.float32),
        "w_out": jnp.full((N_OUT,), OUT_AMP, dtype=jnp.float32),
        "rows": jnp.asarray(rows, dtype=jnp.int32),
        "cols": jnp.asarray(cols, dtype=jnp.int32),
        "in_idx": jnp.asarray(in_idx, dtype=jnp.int32),
        "out_idx": jnp.asarray(out_idx, dtype=jnp.int32),
    }


def reference(x, w_in, w_rec, bias, w_out, rows, cols, in_idx, out_idx):
    # inputProjectionLayer: scatter weighted inputs onto node vector
    y0 = jnp.zeros((1, N_NODES), dtype=x.dtype).at[0, in_idx].set((w_in * x).flatten())
    # recurrentLayer: bIn = x.T + biases, then iterate y <- act(A @ y + bIn)
    bIn = y0.T + bias  # (N_NODES, 1)

    def propagate(y, _):
        msg = w_rec * y[cols, 0]
        Ay = jax.ops.segment_sum(msg, rows, num_segments=N_NODES)[:, None]
        y = _activation(Ay + bIn)
        return y, None

    xhat, _ = jax.lax.scan(propagate, jnp.zeros_like(bIn), None, length=ITERATIONS)
    xhat = xhat.T  # (1, N_NODES)
    # outputProjectionLayer: gather + scale
    return w_out * xhat[:, out_idx]

if __name__ == "__main__":
    import jax
    _d = setup_inputs()
    print(jax.jit(kernel)(*tuple(_d.values())))

</pallas_src>

<mosaic_0001>
#map = affine_map<(d0, d1) -> (0)>
#map1 = affine_map<(d0, d1) -> (0, 0, 0, 0, 0)>
module attributes {stable_mosaic.version = 14 : i64} {
  func.func @_sc_body(%arg0: i32, %arg1: i32, %arg2: memref<640000xi32, #tpu.memory_space<hbm>>, %arg3: memref<640000xf32, #tpu.memory_space<hbm>>, %arg4: memref<10240xf32, #tpu.memory_space<hbm>>, %arg5: memref<512xf32, #tpu.memory_space<hbm>>, %arg6: memref<512xf32, #tpu.memory_space<hbm>>, %arg7: memref<512xi32, #tpu.memory_space<hbm>>, %arg8: memref<256xi32, #tpu.memory_space<hbm>>, %arg9: memref<256xf32, #tpu.memory_space<hbm>>, %arg10: memref<256xf32, #tpu.memory_space<hbm>>, %arg11: memref<2x2x16x5x128xf32, #tpu.memory_space<hbm>>, %arg12: memref<20000xi32, #tpu.memory_space<vmem>>, %arg13: memref<20000xf32, #tpu.memory_space<vmem>>, %arg14: memref<10240xf32, #tpu.memory_space<vmem>>, %arg15: memref<80x128xf32, #tpu.memory_space<vmem>>, %arg16: memref<640xf32, #tpu.memory_space<vmem>>, %arg17: memref<5x128xf32, #tpu.memory_space<vmem>>, %arg18: memref<5x128xf32, #tpu.memory_space<vmem>>, %arg19: memref<5x128xf32, #tpu.memory_space<vmem>>, %arg20: memref<80xi32, #tpu.memory_space<vmem>>, %arg21: memref<512xi32, #tpu.memory_space<vmem>>, %arg22: memref<512xf32, #tpu.memory_space<vmem>>, %arg23: memref<512xf32, #tpu.memory_space<vmem>>, %arg24: memref<16xi32, #tpu.memory_space<vmem>>, %arg25: memref<16xf32, #tpu.memory_space<vmem>>, %arg26: memref<16xf32, #tpu.memory_space<vmem>>, %arg27: memref<80x128xf32, #tpu.memory_space<vmem_shared>>, %arg28: memref<10240xf32, #tpu.memory_space<vmem_shared>>, %arg29: memref<!tpu.semaphore, #tpu.memory_space<semaphore_mem>>, %arg30: memref<!tpu.dma_semaphore, #tpu.memory_space<semaphore_mem>>, %arg31: memref<!tpu.dma_semaphore, #tpu.memory_space<semaphore_mem>>) attributes {dimension_semantics = [#tpu.dimension_semantics<core_parallel>, #tpu.dimension_semantics<subcore_parallel>], iteration_bounds = array<i64: 2, 16>, scalar_prefetch = 0 : i64, scratch_operands = 20 : i64, tpu.core_type = #tpu.core_type<sc_vector_subcore>, window_params = [{transform_indices = #map}, {transform_indices = #map}, {transform_indices = #map}, {transform_indices = #map}, {transform_indices = #map}, {transform_indices = #map}, {transform_indices = #map}, {transform_indices = #map}, {transform_indices = #map}, {transform_indices = #map1}]} {
    %mul3A = arith.constant 16 : i32
    %mul3A_0 = arith.muli %arg0, %mul3A : i32
    %add3A = arith.addi %mul3A_0, %arg1 : i32
    %mul3A_1 = arith.constant 640 : i32
    %mul3A_2 = arith.muli %arg1, %mul3A_1 : i32
    %mul3A_3 = arith.constant 20000 : i32
    %mul3A_4 = arith.muli %add3A, %mul3A_3 : i32
    "tpu.region"() ({
      %run_scoped3A = tpu.sem_alloc : memref<!tpu.dma_semaphore, #tpu.memory_space<semaphore_mem>>
      %dma_start3A = tpu.memref_slice %arg2[%mul3A_4] : memref<640000xi32, #tpu.memory_space<hbm>> -> memref<20000xi32, #tpu.memory_space<hbm>>
      %dma_start3A_39 = tpu.memref_slice %arg2[%mul3A_4] : memref<640000xi32, #tpu.memory_space<hbm>> -> memref<20000xi32, #tpu.memory_space<hbm>>
      tpu.enqueue_dma source(%dma_start3A_39 : memref<20000xi32, #tpu.memory_space<hbm>>) target(%arg12 : memref<20000xi32, #tpu.memory_space<vmem>>) target_semaphore(%run_scoped3A : memref<!tpu.dma_semaphore, #tpu.memory_space<semaphore_mem>>)
      %dma_wait3A = tpu.memref_slice %arg2[%mul3A_4] : memref<640000xi32, #tpu.memory_space<hbm>> -> memref<20000xi32, #tpu.memory_space<hbm>>
      %dma_wait3A_40 = tpu.memref_slice %arg2[%mul3A_4] : memref<640000xi32, #tpu.memory_space<hbm>> -> memref<20000xi32, #tpu.memory_space<hbm>>
      tpu.wait_dma2 semaphore(%run_scoped3A : memref<!tpu.dma_semaphore, #tpu.memory_space<semaphore_mem>>) src(%dma_wait3A_40 : memref<20000xi32, #tpu.memory_space<hbm>>) dst(%arg12 : memref<20000xi32, #tpu.memory_space<vmem>>)
      tpu.yield
    }) : () -> ()
    "tpu.region"() ({
      %run_scoped3A = tpu.sem_alloc : memref<!tpu.dma_semaphore, #tpu.memory_space<semaphore_mem>>
      %dma_start3A = tpu.memref_slice %arg3[%mul3A_4] : memref<640000xf32, #tpu.memory_space<hbm>> -> memref<20000xf32, #tpu.memory_space<hbm>>
      %dma_start3A_39 = tpu.memref_slice %arg3[%mul3A_4] : memref<640000xf32, #tpu.memory_space<hbm>> -> memref<20000xf32, #tpu.memory_space<hbm>>
      tpu.enqueue_dma source(%dma_start3A_39 : memref<20000xf32, #tpu.memory_space<hbm>>) target(%arg13 : memref<20000xf32, #tpu.memory_space<vmem>>) target_semaphore(%run_scoped3A : memref<!tpu.dma_semaphore, #tpu.memory_space<semaphore_mem>>)
      %dma_wait3A = tpu.memref_slice %arg3[%mul3A_4] : memref<640000xf32, #tpu.memory_space<hbm>> -> memref<20000xf32, #tpu.memory_space<hbm>>
      %dma_wait3A_40 = tpu.memref_slice %arg3[%mul3A_4] : memref<640000xf32, #tpu.memory_space<hbm>> -> memref<20000xf32, #tpu.memory_space<hbm>>
      tpu.wait_dma2 semaphore(%run_scoped3A : memref<!tpu.dma_semaphore, #tpu.memory_space<semaphore_mem>>) src(%dma_wait3A_40 : memref<20000xf32, #tpu.memory_space<hbm>>) dst(%arg13 : memref<20000xf32, #tpu.memory_space<vmem>>)
      tpu.yield
    }) : () -> ()
    "tpu.region"() ({
      %run_scoped3A = tpu.sem_alloc : memref<!tpu.dma_semaphore, #tpu.memory_space<semaphore_mem>>
      %dma_start3A = tpu.memref_slice %arg4[%mul3A_2] : memref<10240xf32, #tpu.memory_space<hbm>> -> memref<640xf32, #tpu.memory_space<hbm>>
      %dma_start3A_39 = tpu.memref_slice %arg4[%mul3A_2] : memref<10240xf32, #tpu.memory_space<hbm>> -> memref<640xf32, #tpu.memory_space<hbm>>
      tpu.enqueue_dma source(%dma_start3A_39 : memref<640xf32, #tpu.memory_space<hbm>>) target(%arg16 : memref<640xf32, #tpu.memory_space<vmem>>) target_semaphore(%run_scoped3A : memref<!tpu.dma_semaphore, #tpu.memory_space<semaphore_mem>>)
      %dma_wait3A = tpu.memref_slice %arg4[%mul3A_2] : memref<10240xf32, #tpu.memory_space<hbm>> -> memref<640xf32, #tpu.memory_space<hbm>>
      %dma_wait3A_40 = tpu.memref_slice %arg4[%mul3A_2] : memref<10240xf32, #tpu.memory_space<hbm>> -> memref<640xf32, #tpu.memory_space<hbm>>
      tpu.wait_dma2 semaphore(%run_scoped3A : memref<!tpu.dma_semaphore, #tpu.memory_space<semaphore_mem>>) src(%dma_wait3A_40 : memref<640xf32, #tpu.memory_space<hbm>>) dst(%arg16 : memref<640xf32, #tpu.memory_space<vmem>>)
      tpu.yield
    }) : () -> ()
    "tpu.region"() ({
      %run_scoped3A = tpu.sem_alloc : memref<!tpu.dma_semaphore, #tpu.memory_space<semaphore_mem>>
      tpu.enqueue_dma source(%arg7 : memref<512xi32, #tpu.memory_space<hbm>>) target(%arg21 : memref<512xi32, #tpu.memory_space<vmem>>) target_semaphore(%run_scoped3A : memref<!tpu.dma_semaphore, #tpu.memory_space<semaphore_mem>>)
      tpu.wait_dma2 semaphore(%run_scoped3A : memref<!tpu.dma_semaphore, #tpu.memory_space<semaphore_mem>>) src(%arg7 : memref<512xi32, #tpu.memory_space<hbm>>) dst(%arg21 : memref<512xi32, #tpu.memory_space<vmem>>)
      tpu.yield
    }) : () -> ()
    "tpu.region"() ({
      %run_scoped3A = tpu.sem_alloc : memref<!tpu.dma_semaphore, #tpu.memory_space<semaphore_mem>>
      tpu.enqueue_dma source(%arg5 : memref<512xf32, #tpu.memory_space<hbm>>) target(%arg22 : memref<512xf32, #tpu.memory_space<vmem>>) target_semaphore(%run_scoped3A : memref<!tpu.dma_semaphore, #tpu.memory_space<semaphore_mem>>)
      tpu.wait_dma2 semaphore(%run_scoped3A : memref<!tpu.dma_semaphore, #tpu.memory_space<semaphore_mem>>) src(%arg5 : memref<512xf32, #tpu.memory_space<hbm>>) dst(%arg22 : memref<512xf32, #tpu.memory_space<vmem>>)
      tpu.yield
    }) : () -> ()
    "tpu.region"() ({
      %run_scoped3A = tpu.sem_alloc : memref<!tpu.dma_semaphore, #tpu.memory_space<semaphore_mem>>
      tpu.enqueue_dma source(%arg6 : memref<512xf32, #tpu.memory_space<hbm>>) target(%arg23 : memref<512xf32, #tpu.memory_space<vmem>>) target_semaphore(%run_scoped3A : memref<!tpu.dma_semaphore, #tpu.memory_space<semaphore_mem>>)
      tpu.wait_dma2 semaphore(%run_scoped3A : memref<!tpu.dma_semaphore, #tpu.memory_space<semaphore_mem>>) src(%arg6 : memref<512xf32, #tpu.memory_space<hbm>>) dst(%arg23 : memref<512xf32, #tpu.memory_space<vmem>>)
      tpu.yield
    }) : () -> ()
    %scan3A = arith.constant 0 : i32
    %scan3A_5 = arith.constant 0 : i32
    %scan3A_6 = arith.constant 32 : i32
    %scan3A_7 = arith.addi %scan3A_5, %scan3A_6 : i32
    %scan3A_8 = arith.constant 1 : i32
    scf.for %scan3A_39 = %scan3A_5 to %scan3A_7 step %scan3A_8  : i32 {
      %mul3A_40 = arith.constant 16 : i32
      %mul3A_41 = arith.muli %scan3A_39, %mul3A_40 : i32
      %get3A = arith.index_cast %mul3A_41 : i32 to index
      %get3A_42 = tpu.vector_load %arg21[%get3A] {strides = array<i32>} : memref<512xi32, #tpu.memory_space<vmem>>, vector<16xi32>,
      %mul3A_43 = arith.constant 16 : i32
      %mul3A_44 = arith.muli %scan3A_39, %mul3A_43 : i32
      %get3A_45 = arith.index_cast %mul3A_44 : i32 to index
      %get3A_46 = tpu.vector_load %arg22[%get3A_45] {strides = array<i32>} : memref<512xf32, #tpu.memory_space<vmem>>, vector<16xf32>,
      %mul3A_47 = arith.constant 16 : i32
      %mul3A_48 = arith.muli %scan3A_39, %mul3A_47 : i32
      %get3A_49 = arith.index_cast %mul3A_48 : i32 to index
      %get3A_50 = tpu.vector_load %arg23[%get3A_49] {strides = array<i32>} : memref<512xf32, #tpu.memory_space<vmem>>, vector<16xf32>,
      %mul3A_51 = arith.mulf %get3A_46, %get3A_50 : vector<16xf32>
      %ge3A = vector.broadcast %mul3A_2 : i32 to vector<16xi32>
      %ge3A_52 = arith.cmpi sge, %get3A_42, %ge3A : vector<16xi32>
      %add3A_53 = arith.constant 640 : i32
      %add3A_54 = arith.addi %mul3A_2, %add3A_53 : i32
      %lt3A = vector.broadcast %add3A_54 : i32 to vector<16xi32>
      %lt3A_55 = arith.cmpi slt, %get3A_42, %lt3A : vector<16xi32>
      %and3A = arith.andi %ge3A_52, %lt3A_55 : vector<16xi1>
      %sub3A = vector.broadcast %mul3A_2 : i32 to vector<16xi32>
      %sub3A_56 = arith.subi %get3A_42, %sub3A : vector<16xi32>
      %jit3A = arith.constant 0 : i32
      %broadcast_in_dim3A_57 = vector.broadcast %jit3A : i32 to vector<16xi32>
      %select_n3A = arith.select %and3A, %sub3A_56, %broadcast_in_dim3A_57 : vector<16xi1>, vector<16xi32>
      %jit3A_58 = arith.constant 0.000000e+00 : f32
      %broadcast_in_dim3A_59 = vector.broadcast %jit3A_58 : f32 to vector<16xf32>
      %select_n3A_60 = arith.select %and3A, %mul3A_51, %broadcast_in_dim3A_59 : vector<16xi1>, vector<16xf32>
      tpu.vector_store_idx %arg16[%select_n3A], %select_n3A_60 masked %and3A {add = true} : memref<640xf32, #tpu.memory_space<vmem>>[vector<16xi32>], vector<16xf32>, vector<16xi1>
    }
    %scan3A_9 = arith.constant 32 : i32
    %broadcast_in_dim3A = arith.constant 0.000000e+00 : f32
    %broadcast_in_dim3A_10 = vector.broadcast %broadcast_in_dim3A : f32 to vector<16xf32>
    %iota3A = tpu.iota {dimensions = array<i32: 0>} : vector<16xi32>
    %scan3A_11 = arith.constant 0 : i32
    %scan3A_12 = arith.constant 0 : i32
    %scan3A_13 = arith.constant 640 : i32
    %scan3A_14 = arith.addi %scan3A_12, %scan3A_13 : i32
    %scan3A_15 = arith.constant 1 : i32
    scf.for %scan3A_39 = %scan3A_12 to %scan3A_14 step %scan3A_15  : i32 {
      %mul3A_40 = arith.constant 16 : i32
      %mul3A_41 = arith.muli %scan3A_39, %mul3A_40 : i32
      %swap3A = arith.index_cast %mul3A_41 : i32 to index
      %swap3A_42 = tpu.vector_load %arg14[%swap3A] {strides = array<i32>} : memref<10240xf32, #tpu.memory_space<vmem>>, vector<16xf32>,
      tpu.vector_store %arg14[%swap3A], %broadcast_in_dim3A_10 {strides = array<i32>} : memref<10240xf32, #tpu.memory_space<vmem>>, vector<16xf32>,
      %shift_right_arithmetic3A = arith.constant 3 : i32
      %shift_right_arithmetic3A_43 = arith.shrsi %scan3A_39, %shift_right_arithmetic3A : i32
      %and3A = arith.constant 7 : i32
      %and3A_44 = arith.andi %scan3A_39, %and3A : i32
      %mul3A_45 = arith.constant 16 : i32
      %mul3A_46 = arith.muli %and3A_44, %mul3A_45 : i32
      %swap3A_47 = arith.index_cast %shift_right_arithmetic3A_43 : i32 to index
      %swap3A_48 = arith.index_cast %mul3A_46 : i32 to index
      %swap3A_49 = tpu.vector_load %arg15[%swap3A_47, %swap3A_48] {strides = array<i32>} : memref<80x128xf32, #tpu.memory_space<vmem>>, vector<16xf32>,
      tpu.vector_store %arg15[%swap3A_47, %swap3A_48], %broadcast_in_dim3A_10 {strides = array<i32>} : memref<80x128xf32, #tpu.memory_space<vmem>>, vector<16xf32>,
    }
    %scan3A_16 = arith.constant 640 : i32
    %scan3A_17 = arith.constant 0 : i32
    %scan3A_18 = arith.constant 0 : i32
    %scan3A_19 = arith.constant 40 : i32
    %scan3A_20 = arith.addi %scan3A_18, %scan3A_19 : i32
    %scan3A_21 = arith.constant 1 : i32
    scf.for %scan3A_39 = %scan3A_18 to %scan3A_20 step %scan3A_21  : i32 {
      %shift_right_arithmetic3A = arith.constant 3 : i32
      %shift_right_arithmetic3A_40 = arith.shrsi %scan3A_39, %shift_right_arithmetic3A : i32
      %and3A = arith.constant 7 : i32
      %and3A_41 = arith.andi %scan3A_39, %and3A : i32
      %mul3A_42 = arith.constant 16 : i32
      %mul3A_43 = arith.muli %and3A_41, %mul3A_42 : i32
      %swap3A = arith.index_cast %shift_right_arithmetic3A_40 : i32 to index
      %swap3A_44 = arith.index_cast %mul3A_43 : i32 to index
      %swap3A_45 = tpu.vector_load %arg19[%swap3A, %swap3A_44] {strides = array<i32>} : memref<5x128xf32, #tpu.memory_space<vmem>>, vector<16xf32>,
      tpu.vector_store %arg19[%swap3A, %swap3A_44], %broadcast_in_dim3A_10 {strides = array<i32>} : memref<5x128xf32, #tpu.memory_space<vmem>>, vector<16xf32>,
    }
    %scan3A_22 = arith.constant 40 : i32
    %scan3A_23 = arith.constant 0 : i32
    %scan3A_24 = arith.constant 0 : i32
    %scan3A_25 = arith.constant 5 : i32
    %scan3A_26 = arith.addi %scan3A_24, %scan3A_25 : i32
    %scan3A_27 = arith.constant 1 : i32
    scf.for %scan3A_39 = %scan3A_24 to %scan3A_26 step %scan3A_27  : i32 {
      %mul3A_40 = arith.constant 16 : i32
      %mul3A_41 = arith.muli %scan3A_39, %mul3A_40 : i32
      %add3A_42 = vector.broadcast %mul3A_41 : i32 to vector<16xi32>
      %add3A_43 = arith.addi %iota3A, %add3A_42 : vector<16xi32>
      %mul3A_44 = arith.constant 16 : i32
      %mul3A_45 = arith.muli %scan3A_39, %mul3A_44 : i32
      %swap3A = arith.index_cast %mul3A_45 : i32 to index
      %swap3A_46 = tpu.vector_load %arg20[%swap3A] {strides = array<i32>} : memref<80xi32, #tpu.memory_space<vmem>>, vector<16xi32>,
      tpu.vector_store %arg20[%swap3A], %add3A_43 {strides = array<i32>} : memref<80xi32, #tpu.memory_space<vmem>>, vector<16xi32>,
    }
    %scan3A_28 = arith.constant 5 : i32
    %mul3A_29 = arith.constant 5 : i32
    %mul3A_30 = arith.muli %arg1, %mul3A_29 : i32
    "tpu.region"() ({
      %run_scoped3A = tpu.sem_alloc : memref<!tpu.dma_semaphore, #tpu.memory_space<semaphore_mem>>
      %dma_start3A = arith.constant 0 : i32
      %dma_start3A_39 = tpu.memref_slice %arg27[%mul3A_30, %dma_start3A] : memref<80x128xf32, #tpu.memory_space<vmem_shared>> -> memref<5x128xf32, #tpu.memory_space<vmem_shared>>
      %dma_start3A_40 = arith.constant 0 : i32
      %dma_start3A_41 = tpu.memref_slice %arg27[%mul3A_30, %dma_start3A_40] : memref<80x128xf32, #tpu.memory_space<vmem_shared>> -> memref<5x128xf32, #tpu.memory_space<vmem_shared>>
      tpu.enqueue_dma source(%arg19 : memref<5x128xf32, #tpu.memory_space<vmem>>) target(%dma_start3A_41 : memref<5x128xf32, #tpu.memory_space<vmem_shared>>) target_semaphore(%run_scoped3A : memref<!tpu.dma_semaphore, #tpu.memory_space<semaphore_mem>>)
      %dma_wait3A = arith.constant 0 : i32
      %dma_wait3A_42 = tpu.memref_slice %arg27[%mul3A_30, %dma_wait3A] : memref<80x128xf32, #tpu.memory_space<vmem_shared>> -> memref<5x128xf32, #tpu.memory_space<vmem_shared>>
      %dma_wait3A_43 = arith.constant 0 : i32
      %dma_wait3A_44 = tpu.memref_slice %arg27[%mul3A_30, %dma_wait3A_43] : memref<80x128xf32, #tpu.memory_space<vmem_shared>> -> memref<5x128xf32, #tpu.memory_space<vmem_shared>>
      tpu.wait_dma2 semaphore(%run_scoped3A : memref<!tpu.dma_semaphore, #tpu.memory_space<semaphore_mem>>) src(%arg19 : memref<5x128xf32, #tpu.memory_space<vmem>>) dst(%dma_wait3A_44 : memref<5x128xf32, #tpu.memory_space<vmem_shared>>)
      tpu.yield
    }) : () -> ()
    %scan3A_31 = arith.constant 0 : i32
    %scan3A_32 = arith.constant 0 : i32
    %scan3A_33 = arith.constant 150 : i32
    %scan3A_34 = arith.addi %scan3A_32, %scan3A_33 : i32
    %scan3A_35 = arith.constant 1 : i32
    scf.for %scan3A_39 = %scan3A_32 to %scan3A_34 step %scan3A_35  : i32 {
      %parallel_loop3A = arith.constant 0 : i32
      %parallel_loop3A_40 = arith.constant 1250 : i32
      %parallel_loop3A_41 = arith.constant 1 : i32
      scf.for %parallel_loop3A_71 = %parallel_loop3A to %parallel_loop3A_40 step %parallel_loop3A_41  : i32 {
        %parallel_loop3A_72 = arith.constant 16 : i32
        %parallel_loop3A_73 = arith.muli %parallel_loop3A_71, %parallel_loop3A_72 : i32
        %parallel_loop3A_74 = arith.index_cast %parallel_loop3A_73 : i32 to index
        %parallel_loop3A_75 = tpu.vector_load %arg12[%parallel_loop3A_74] {strides = array<i32>} : memref<20000xi32, #tpu.memory_space<vmem>>, vector<16xi32>,
        %parallel_loop3A_76 = arith.constant 16383 : i32
        %parallel_loop3A_77 = vector.broadcast %parallel_loop3A_76 : i32 to vector<16xi32>
        %parallel_loop3A_78 = arith.andi %parallel_loop3A_75, %parallel_loop3A_77 : vector<16xi32>
        %parallel_loop3A_79 = arith.constant 14 : i32
        %parallel_loop3A_80 = vector.broadcast %parallel_loop3A_79 : i32 to vector<16xi32>
        %parallel_loop3A_81 = arith.shrsi %parallel_loop3A_75, %parallel_loop3A_80 : vector<16xi32>
        %parallel_loop3A_82 = tpu.vector_load_idx %arg14[%parallel_loop3A_78] : memref<10240xf32, #tpu.memory_space<vmem>>[vector<16xi32>], vector<16xf32>,
        %parallel_loop3A_83 = arith.index_cast %parallel_loop3A_73 : i32 to index
        %parallel_loop3A_84 = tpu.vector_load %arg13[%parallel_loop3A_83] {strides = array<i32>} : memref<20000xf32, #tpu.memory_space<vmem>>, vector<16xf32>,
        %parallel_loop3A_85 = arith.constant 7 : i32
        %parallel_loop3A_86 = vector.broadcast %parallel_loop3A_85 : i32 to vector<16xi32>
        %parallel_loop3A_87 = arith.shrsi %parallel_loop3A_81, %parallel_loop3A_86 : vector<16xi32>
        %parallel_loop3A_88 = arith.constant 127 : i32
        %parallel_loop3A_89 = vector.broadcast %parallel_loop3A_88 : i32 to vector<16xi32>
        %parallel_loop3A_90 = arith.andi %parallel_loop3A_81, %parallel_loop3A_89 : vector<16xi32>
        %parallel_loop3A_91 = arith.mulf %parallel_loop3A_82, %parallel_loop3A_84 : vector<16xf32>
        tpu.vector_store_idx %arg15[%parallel_loop3A_87, %parallel_loop3A_90], %parallel_loop3A_91 {add = true} : memref<80x128xf32, #tpu.memory_space<vmem>>[vector<16xi32>, vector<16xi32>], vector<16xf32>,
      } {sc.loop_unroll_factor = 8 : i64, sc.parallel_access}
      "tpu.region"() ({
        %run_scoped3A = tpu.sem_alloc : memref<!tpu.dma_semaphore, #tpu.memory_space<semaphore_mem>>
        %dma_start3A_71 = arith.constant 0 : i32
        %dma_start3A_72 = arith.constant 0 : i32
        %dma_start3A_73 = tpu.memref_slice %arg27[%dma_start3A_71, %dma_start3A_72] : memref<80x128xf32, #tpu.memory_space<vmem_shared>> -> memref<80x128xf32, #tpu.memory_space<vmem_shared>>
        tpu.enqueue_indirect_dma source(%arg15 : memref<80x128xf32, #tpu.memory_space<vmem>>) target(%dma_start3A_73 : memref<80x128xf32, #tpu.memory_space<vmem_shared>>) offsets(%arg20 : memref<80xi32, #tpu.memory_space<vmem>>) semaphore(%run_scoped3A : memref<!tpu.dma_semaphore, #tpu.memory_space<semaphore_mem>>) {add = true}
        %dma_wait3A_74 = arith.constant 0 : i32
        %dma_wait3A_75 = arith.constant 0 : i32
        %dma_wait3A_76 = tpu.memref_slice %arg27[%dma_wait3A_74, %dma_wait3A_75] : memref<80x128xf32, #tpu.memory_space<vmem_shared>> -> memref<80x128xf32, #tpu.memory_space<vmem_shared>>
        tpu.wait_indirect_dma semaphore(%run_scoped3A : memref<!tpu.dma_semaphore, #tpu.memory_space<semaphore_mem>>) src(%arg15 : memref<80x128xf32, #tpu.memory_space<vmem>>) dst(%dma_wait3A_76 : memref<80x128xf32, #tpu.memory_space<vmem_shared>>)
        tpu.yield
      }) : () -> ()
      %barrier3A = arith.constant 0 : index
      tpu.barrier barrier_id(%barrier3A)
      %mul3A_42 = arith.constant 5 : i32
      %mul3A_43 = arith.muli %arg1, %mul3A_42 : i32
      "tpu.region"() ({
        %run_scoped3A = tpu.sem_alloc : memref<!tpu.dma_semaphore, #tpu.memory_space<semaphore_mem>>
        %dma_start3A_71 = arith.constant 0 : i32
        %dma_start3A_72 = tpu.memref_slice %arg27[%mul3A_43, %dma_start3A_71] : memref<80x128xf32, #tpu.memory_space<vmem_shared>> -> memref<5x128xf32, #tpu.memory_space<vmem_shared>>
        %dma_start3A_73 = arith.constant 0 : i32
        %dma_start3A_74 = tpu.memref_slice %arg27[%mul3A_43, %dma_start3A_73] : memref<80x128xf32, #tpu.memory_space<vmem_shared>> -> memref<5x128xf32, #tpu.memory_space<vmem_shared>>
        tpu.enqueue_dma source(%dma_start3A_74 : memref<5x128xf32, #tpu.memory_space<vmem_shared>>) target(%arg17 : memref<5x128xf32, #tpu.memory_space<vmem>>) target_semaphore(%run_scoped3A : memref<!tpu.dma_semaphore, #tpu.memory_space<semaphore_mem>>)
        %dma_wait3A_75 = arith.constant 0 : i32
        %dma_wait3A_76 = tpu.memref_slice %arg27[%mul3A_43, %dma_wait3A_75] : memref<80x128xf32, #tpu.memory_space<vmem_shared>> -> memref<5x128xf32, #tpu.memory_space<vmem_shared>>
        %dma_wait3A_77 = arith.constant 0 : i32
        %dma_wait3A_78 = tpu.memref_slice %arg27[%mul3A_43, %dma_wait3A_77] : memref<80x128xf32, #tpu.memory_space<vmem_shared>> -> memref<5x128xf32, #tpu.memory_space<vmem_shared>>
        tpu.wait_dma2 semaphore(%run_scoped3A : memref<!tpu.dma_semaphore, #tpu.memory_space<semaphore_mem>>) src(%dma_wait3A_78 : memref<5x128xf32, #tpu.memory_space<vmem_shared>>) dst(%arg17 : memref<5x128xf32, #tpu.memory_space<vmem>>)
        tpu.yield
      }) : () -> ()
      %rem3A = arith.constant 2 : i32
      %rem3A_44 = arith.remsi %scan3A_39, %rem3A : i32
      "tpu.region"() ({
        %run_scoped3A = tpu.sem_alloc : memref<!tpu.dma_semaphore, #tpu.memory_space<semaphore_mem>>
        %dma_start3A_71 = arith.constant 0 : i32
        %dma_start3A_72 = arith.constant 0 : i32
        %dma_start3A_73 = tpu.memref_slice %arg11[%rem3A_44, %arg0, %arg1, %dma_start3A_71, %dma_start3A_72] : memref<2x2x16x5x128xf32, #tpu.memory_space<hbm>> -> memref<1x1x1x5x128xf32, #tpu.memory_space<hbm>>
        %dma_start3A_74 = tpu.memref_squeeze %dma_start3A_73 : memref<1x1x1x5x128xf32, #tpu.memory_space<hbm>> -> memref<5x128xf32, #tpu.memory_space<hbm>>
        %dma_start3A_75 = arith.constant 0 : i32
        %dma_start3A_76 = arith.constant 0 : i32
        %dma_start3A_77 = tpu.memref_slice %arg11[%rem3A_44, %arg0, %arg1, %dma_start3A_75, %dma_start3A_76] : memref<2x2x16x5x128xf32, #tpu.memory_space<hbm>> -> memref<1x1x1x5x128xf32, #tpu.memory_space<hbm>>
        %dma_start3A_78 = tpu.memref_squeeze %dma_start3A_77 : memref<1x1x1x5x128xf32, #tpu.memory_space<hbm>> -> memref<5x128xf32, #tpu.memory_space<hbm>>
        tpu.enqueue_dma source(%arg17 : memref<5x128xf32, #tpu.memory_space<vmem>>) target(%dma_start3A_78 : memref<5x128xf32, #tpu.memory_space<hbm>>) target_semaphore(%run_scoped3A : memref<!tpu.dma_semaphore, #tpu.memory_space<semaphore_mem>>)
        %dma_wait3A_79 = arith.constant 0 : i32
        %dma_wait3A_80 = arith.constant 0 : i32
        %dma_wait3A_81 = tpu.memref_slice %arg11[%rem3A_44, %arg0, %arg1, %dma_wait3A_79, %dma_wait3A_80] : memref<2x2x16x5x128xf32, #tpu.memory_space<hbm>> -> memref<1x1x1x5x128xf32, #tpu.memory_space<hbm>>
        %dma_wait3A_82 = tpu.memref_squeeze %dma_wait3A_81 : memref<1x1x1x5x128xf32, #tpu.memory_space<hbm>> -> memref<5x128xf32, #tpu.memory_space<hbm>>
        %dma_wait3A_83 = arith.constant 0 : i32
        %dma_wait3A_84 = arith.constant 0 : i32
        %dma_wait3A_85 = tpu.memref_slice %arg11[%rem3A_44, %arg0, %arg1, %dma_wait3A_83, %dma_wait3A_84] : memref<2x2x16x5x128xf32, #tpu.memory_space<hbm>> -> memref<1x1x1x5x128xf32, #tpu.memory_space<hbm>>
        %dma_wait3A_86 = tpu.memref_squeeze %dma_wait3A_85 : memref<1x1x1x5x128xf32, #tpu.memory_space<hbm>> -> memref<5x128xf32, #tpu.memory_space<hbm>>
        tpu.wait_dma2 semaphore(%run_scoped3A : memref<!tpu.dma_semaphore, #tpu.memory_space<semaphore_mem>>) src(%arg17 : memref<5x128xf32, #tpu.memory_space<vmem>>) dst(%dma_wait3A_86 : memref<5x128xf32, #tpu.memory_space<hbm>>)
        tpu.yield
      }) : () -> ()
      %sub3A = arith.constant 1 : i32
      %sub3A_45 = arith.subi %sub3A, %arg0 : i32
      %semaphore_signal3A = arith.constant 1 : i32
      tpu.sem_signal %arg29, %semaphore_signal3A core_id %sub3A_45 : memref<!tpu.semaphore, #tpu.memory_space<semaphore_mem>>
      %mul3A_46 = arith.constant 5 : i32
      %mul3A_47 = arith.muli %arg1, %mul3A_46 : i32
      "tpu.region"() ({
        %run_scoped3A = tpu.sem_alloc : memref<!tpu.dma_semaphore, #tpu.memory_space<semaphore_mem>>
        %dma_start3A_71 = arith.constant 0 : i32
        %dma_start3A_72 = tpu.memref_slice %arg27[%mul3A_47, %dma_start3A_71] : memref<80x128xf32, #tpu.memory_space<vmem_shared>> -> memref<5x128xf32, #tpu.memory_space<vmem_shared>>
        %dma_start3A_73 = arith.constant 0 : i32
        %dma_start3A_74 = tpu.memref_slice %arg27[%mul3A_47, %dma_start3A_73] : memref<80x128xf32, #tpu.memory_space<vmem_shared>> -> memref<5x128xf32, #tpu.memory_space<vmem_shared>>
        tpu.enqueue_dma source(%arg19 : memref<5x128xf32, #tpu.memory_space<vmem>>) target(%dma_start3A_74 : memref<5x128xf32, #tpu.memory_space<vmem_shared>>) target_semaphore(%run_scoped3A : memref<!tpu.dma_semaphore, #tpu.memory_space<semaphore_mem>>)
        %dma_wait3A_75 = arith.constant 0 : i32
        %dma_wait3A_76 = tpu.memref_slice %arg27[%mul3A_47, %dma_wait3A_75] : memref<80x128xf32, #tpu.memory_space<vmem_shared>> -> memref<5x128xf32, #tpu.memory_space<vmem_shared>>
        %dma_wait3A_77 = arith.constant 0 : i32
        %dma_wait3A_78 = tpu.memref_slice %arg27[%mul3A_47, %dma_wait3A_77] : memref<80x128xf32, #tpu.memory_space<vmem_shared>> -> memref<5x128xf32, #tpu.memory_space<vmem_shared>>
        tpu.wait_dma2 semaphore(%run_scoped3A : memref<!tpu.dma_semaphore, #tpu.memory_space<semaphore_mem>>) src(%arg19 : memref<5x128xf32, #tpu.memory_space<vmem>>) dst(%dma_wait3A_78 : memref<5x128xf32, #tpu.memory_space<vmem_shared>>)
        tpu.yield
      }) : () -> ()
      %semaphore_wait3A = arith.constant 1 : i32
      %semaphore_wait3A_48 = arith.constant true
      tpu.sem_wait %arg29, %semaphore_wait3A : memref<!tpu.semaphore, #tpu.memory_space<semaphore_mem>>
      %sub3A_49 = arith.constant 1 : i32
      %sub3A_50 = arith.subi %sub3A_49, %arg0 : i32
      "tpu.region"() ({
        %run_scoped3A = tpu.sem_alloc : memref<!tpu.dma_semaphore, #tpu.memory_space<semaphore_mem>>
        %dma_start3A_71 = arith.constant 0 : i32
        %dma_start3A_72 = arith.constant 0 : i32
        %dma_start3A_73 = tpu.memref_slice %arg11[%rem3A_44, %sub3A_50, %arg1, %dma_start3A_71, %dma_start3A_72] : memref<2x2x16x5x128xf32, #tpu.memory_space<hbm>> -> memref<1x1x1x5x128xf32, #tpu.memory_space<hbm>>
        %dma_start3A_74 = tpu.memref_squeeze %dma_start3A_73 : memref<1x1x1x5x128xf32, #tpu.memory_space<hbm>> -> memref<5x128xf32, #tpu.memory_space<hbm>>
        %dma_start3A_75 = arith.constant 0 : i32
        %dma_start3A_76 = arith.constant 0 : i32
        %dma_start3A_77 = tpu.memref_slice %arg11[%rem3A_44, %sub3A_50, %arg1, %dma_start3A_75, %dma_start3A_76] : memref<2x2x16x5x128xf32, #tpu.memory_space<hbm>> -> memref<1x1x1x5x128xf32, #tpu.memory_space<hbm>>
        %dma_start3A_78 = tpu.memref_squeeze %dma_start3A_77 : memref<1x1x1x5x128xf32, #tpu.memory_space<hbm>> -> memref<5x128xf32, #tpu.memory_space<hbm>>
        tpu.enqueue_dma source(%dma_start3A_78 : memref<5x128xf32, #tpu.memory_space<hbm>>) target(%arg18 : memref<5x128xf32, #tpu.memory_space<vmem>>) target_semaphore(%run_scoped3A : memref<!tpu.dma_semaphore, #tpu.memory_space<semaphore_mem>>)
        %dma_wait3A_79 = arith.constant 0 : i32
        %dma_wait3A_80 = arith.constant 0 : i32
        %dma_wait3A_81 = tpu.memref_slice %arg11[%rem3A_44, %sub3A_50, %arg1, %dma_wait3A_79, %dma_wait3A_80] : memref<2x2x16x5x128xf32, #tpu.memory_space<hbm>> -> memref<1x1x1x5x128xf32, #tpu.memory_space<hbm>>
        %dma_wait3A_82 = tpu.memref_squeeze %dma_wait3A_81 : memref<1x1x1x5x128xf32, #tpu.memory_space<hbm>> -> memref<5x128xf32, #tpu.memory_space<hbm>>
        %dma_wait3A_83 = arith.constant 0 : i32
        %dma_wait3A_84 = arith.constant 0 : i32
        %dma_wait3A_85 = tpu.memref_slice %arg11[%rem3A_44, %sub3A_50, %arg1, %dma_wait3A_83, %dma_wait3A_84] : memref<2x2x16x5x128xf32, #tpu.memory_space<hbm>> -> memref<1x1x1x5x128xf32, #tpu.memory_space<hbm>>
        %dma_wait3A_86 = tpu.memref_squeeze %dma_wait3A_85 : memref<1x1x1x5x128xf32, #tpu.memory_space<hbm>> -> memref<5x128xf32, #tpu.memory_space<hbm>>
        tpu.wait_dma2 semaphore(%run_scoped3A : memref<!tpu.dma_semaphore, #tpu.memory_space<semaphore_mem>>) src(%dma_wait3A_86 : memref<5x128xf32, #tpu.memory_space<hbm>>) dst(%arg18 : memref<5x128xf32, #tpu.memory_space<vmem>>)
        tpu.yield
      }) : () -> ()
      %parallel_loop3A_51 = arith.constant 0 : i32
      %parallel_loop3A_52 = arith.constant 20 : i32
      %parallel_loop3A_53 = arith.constant 1 : i32
      scf.for %parallel_loop3A_71 = %parallel_loop3A_51 to %parallel_loop3A_52 step %parallel_loop3A_53  : i32 {
        %parallel_loop3A_72 = arith.constant 3 : i32
        %parallel_loop3A_73 = arith.shrsi %parallel_loop3A_71, %parallel_loop3A_72 : i32
        %parallel_loop3A_74 = arith.constant 7 : i32
        %parallel_loop3A_75 = arith.andi %parallel_loop3A_71, %parallel_loop3A_74 : i32
        %parallel_loop3A_76 = arith.constant 16 : i32
        %parallel_loop3A_77 = arith.muli %parallel_loop3A_75, %parallel_loop3A_76 : i32
        %parallel_loop3A_78 = arith.index_cast %parallel_loop3A_73 : i32 to index
        %parallel_loop3A_79 = arith.index_cast %parallel_loop3A_77 : i32 to index
        %parallel_loop3A_80 = tpu.vector_load %arg17[%parallel_loop3A_78, %parallel_loop3A_79] {strides = array<i32>} : memref<5x128xf32, #tpu.memory_space<vmem>>, vector<16xf32>,
        %parallel_loop3A_81 = arith.index_cast %parallel_loop3A_73 : i32 to index
        %parallel_loop3A_82 = arith.index_cast %parallel_loop3A_77 : i32 to index
        %parallel_loop3A_83 = tpu.vector_load %arg18[%parallel_loop3A_81, %parallel_loop3A_82] {strides = array<i32>} : memref<5x128xf32, #tpu.memory_space<vmem>>, vector<16xf32>,
        %parallel_loop3A_84 = arith.addf %parallel_loop3A_80, %parallel_loop3A_83 : vector<16xf32>
        %parallel_loop3A_85 = arith.constant 16 : i32
        %parallel_loop3A_86 = arith.muli %parallel_loop3A_71, %parallel_loop3A_85 : i32
        %parallel_loop3A_87 = arith.index_cast %parallel_loop3A_86 : i32 to index
        %parallel_loop3A_88 = tpu.vector_load %arg16[%parallel_loop3A_87] {strides = array<i32>} : memref<640xf32, #tpu.memory_space<vmem>>, vector<16xf32>,
        %parallel_loop3A_89 = arith.addf %parallel_loop3A_84, %parallel_loop3A_88 : vector<16xf32>
        %parallel_loop3A_90 = arith.constant 0.000000e+00 : f32
        %parallel_loop3A_91 = vector.broadcast %parallel_loop3A_90 : f32 to vector<16xf32>
        %parallel_loop3A_92 = arith.cmpf olt, %parallel_loop3A_89, %parallel_loop3A_91 : vector<16xf32>
        %parallel_loop3A_93 = arith.constant 0.00999999977 : f32
        %parallel_loop3A_94 = vector.broadcast %parallel_loop3A_93 : f32 to vector<16xf32>
        %parallel_loop3A_95 = arith.mulf %parallel_loop3A_89, %parallel_loop3A_94 : vector<16xf32>
        %parallel_loop3A_96 = arith.select %parallel_loop3A_92, %parallel_loop3A_95, %parallel_loop3A_89 : vector<16xi1>, vector<16xf32>
        %parallel_loop3A_97 = arith.constant 5.000000e-01 : f32
        %parallel_loop3A_98 = vector.broadcast %parallel_loop3A_97 : f32 to vector<16xf32>
        %parallel_loop3A_99 = arith.cmpf ogt, %parallel_loop3A_96, %parallel_loop3A_98 : vector<16xf32>
        %parallel_loop3A_100 = arith.constant 1.000000e+00 : f32
        %parallel_loop3A_101 = vector.broadcast %parallel_loop3A_100 : f32 to vector<16xf32>
        %parallel_loop3A_102 = arith.select %parallel_loop3A_99, %parallel_loop3A_96, %parallel_loop3A_101 : vector<16xi1>, vector<16xf32>
        %parallel_loop3A_103 = arith.constant 2.500000e-01 : f32
        %parallel_loop3A_104 = vector.broadcast %parallel_loop3A_103 : f32 to vector<16xf32>
        %parallel_loop3A_105 = arith.divf %parallel_loop3A_104, %parallel_loop3A_102 : vector<16xf32>
        %parallel_loop3A_106 = arith.constant 1.000000e+00 : f32
        %parallel_loop3A_107 = vector.broadcast %parallel_loop3A_106 : f32 to vector<16xf32>
        %parallel_loop3A_108 = arith.subf %parallel_loop3A_107, %parallel_loop3A_105 : vector<16xf32>
        %parallel_loop3A_109 = arith.select %parallel_loop3A_99, %parallel_loop3A_108, %parallel_loop3A_96 : vector<16xi1>, vector<16xf32>
        %parallel_loop3A_110 = arith.constant 16 : i32
        %parallel_loop3A_111 = arith.muli %parallel_loop3A_71, %parallel_loop3A_110 : i32
        %parallel_loop3A_112 = arith.addi %mul3A_2, %parallel_loop3A_111 : i32
        %parallel_loop3A_113 = arith.index_cast %parallel_loop3A_112 : i32 to index
        %parallel_loop3A_114 = tpu.vector_load %arg14[%parallel_loop3A_113] {strides = array<i32>} : memref<10240xf32, #tpu.memory_space<vmem>>, vector<16xf32>,
        tpu.vector_store %arg14[%parallel_loop3A_113], %parallel_loop3A_109 {strides = array<i32>} : memref<10240xf32, #tpu.memory_space<vmem>>, vector<16xf32>,
      } {sc.loop_unroll_factor = 4 : i64, sc.parallel_access}
      %dma_start3A = tpu.memref_slice %arg14[%mul3A_2] : memref<10240xf32, #tpu.memory_space<vmem>> -> memref<320xf32, #tpu.memory_space<vmem>>
      %dma_start3A_54 = tpu.memref_slice %arg28[%mul3A_2] : memref<10240xf32, #tpu.memory_space<vmem_shared>> -> memref<320xf32, #tpu.memory_space<vmem_shared>>
      %dma_start3A_55 = tpu.memref_slice %arg28[%mul3A_2] : memref<10240xf32, #tpu.memory_space<vmem_shared>> -> memref<320xf32, #tpu.memory_space<vmem_shared>>
      %dma_start3A_56 = tpu.memref_slice %arg14[%mul3A_2] : memref<10240xf32, #tpu.memory_space<vmem>> -> memref<320xf32, #tpu.memory_space<vmem>>
      tpu.enqueue_dma source(%dma_start3A_56 : memref<320xf32, #tpu.memory_space<vmem>>) target(%dma_start3A_55 : memref<320xf32, #tpu.memory_space<vmem_shared>>) target_semaphore(%arg31 : memref<!tpu.dma_semaphore, #tpu.memory_space<semaphore_mem>>)
      %parallel_loop3A_57 = arith.constant 20 : i32
      %parallel_loop3A_58 = arith.constant 40 : i32
      %parallel_loop3A_59 = arith.constant 1 : i32
      scf.for %parallel_loop3A_71 = %parallel_loop3A_57 to %parallel_loop3A_58 step %parallel_loop3A_59  : i32 {
        %parallel_loop3A_72 = arith.constant 3 : i32
        %parallel_loop3A_73 = arith.shrsi %parallel_loop3A_71, %parallel_loop3A_72 : i32
        %parallel_loop3A_74 = arith.constant 7 : i32
        %parallel_loop3A_75 = arith.andi %parallel_loop3A_71, %parallel_loop3A_74 : i32
        %parallel_loop3A_76 = arith.constant 16 : i32
        %parallel_loop3A_77 = arith.muli %parallel_loop3A_75, %parallel_loop3A_76 : i32
        %parallel_loop3A_78 = arith.index_cast %parallel_loop3A_73 : i32 to index
        %parallel_loop3A_79 = arith.index_cast %parallel_loop3A_77 : i32 to index
        %parallel_loop3A_80 = tpu.vector_load %arg17[%parallel_loop3A_78, %parallel_loop3A_79] {strides = array<i32>} : memref<5x128xf32, #tpu.memory_space<vmem>>, vector<16xf32>,
        %parallel_loop3A_81 = arith.index_cast %parallel_loop3A_73 : i32 to index
        %parallel_loop3A_82 = arith.index_cast %parallel_loop3A_77 : i32 to index
        %parallel_loop3A_83 = tpu.vector_load %arg18[%parallel_loop3A_81, %parallel_loop3A_82] {strides = array<i32>} : memref<5x128xf32, #tpu.memory_space<vmem>>, vector<16xf32>,
        %parallel_loop3A_84 = arith.addf %parallel_loop3A_80, %parallel_loop3A_83 : vector<16xf32>
        %parallel_loop3A_85 = arith.constant 16 : i32
        %parallel_loop3A_86 = arith.muli %parallel_loop3A_71, %parallel_loop3A_85 : i32
        %parallel_loop3A_87 = arith.index_cast %parallel_loop3A_86 : i32 to index
        %parallel_loop3A_88 = tpu.vector_load %arg16[%parallel_loop3A_87] {strides = array<i32>} : memref<640xf32, #tpu.memory_space<vmem>>, vector<16xf32>,
        %parallel_loop3A_89 = arith.addf %parallel_loop3A_84, %parallel_loop3A_88 : vector<16xf32>
        %parallel_loop3A_90 = arith.constant 0.000000e+00 : f32
        %parallel_loop3A_91 = vector.broadcast %parallel_loop3A_90 : f32 to vector<16xf32>
        %parallel_loop3A_92 = arith.cmpf olt, %parallel_loop3A_89, %parallel_loop3A_91 : vector<16xf32>
        %parallel_loop3A_93 = arith.constant 0.00999999977 : f32
        %parallel_loop3A_94 = vector.broadcast %parallel_loop3A_93 : f32 to vector<16xf32>
        %parallel_loop3A_95 = arith.mulf %parallel_loop3A_89, %parallel_loop3A_94 : vector<16xf32>
        %parallel_loop3A_96 = arith.select %parallel_loop3A_92, %parallel_loop3A_95, %parallel_loop3A_89 : vector<16xi1>, vector<16xf32>
        %parallel_loop3A_97 = arith.constant 5.000000e-01 : f32
        %parallel_loop3A_98 = vector.broadcast %parallel_loop3A_97 : f32 to vector<16xf32>
        %parallel_loop3A_99 = arith.cmpf ogt, %parallel_loop3A_96, %parallel_loop3A_98 : vector<16xf32>
        %parallel_loop3A_100 = arith.constant 1.000000e+00 : f32
        %parallel_loop3A_101 = vector.broadcast %parallel_loop3A_100 : f32 to vector<16xf32>
        %parallel_loop3A_102 = arith.select %parallel_loop3A_99, %parallel_loop3A_96, %parallel_loop3A_101 : vector<16xi1>, vector<16xf32>
        %parallel_loop3A_103 = arith.constant 2.500000e-01 : f32
        %parallel_loop3A_104 = vector.broadcast %parallel_loop3A_103 : f32 to vector<16xf32>
        %parallel_loop3A_105 = arith.divf %parallel_loop3A_104, %parallel_loop3A_102 : vector<16xf32>
        %parallel_loop3A_106 = arith.constant 1.000000e+00 : f32
        %parallel_loop3A_107 = vector.broadcast %parallel_loop3A_106 : f32 to vector<16xf32>
        %parallel_loop3A_108 = arith.subf %parallel_loop3A_107, %parallel_loop3A_105 : vector<16xf32>
        %parallel_loop3A_109 = arith.select %parallel_loop3A_99, %parallel_loop3A_108, %parallel_loop3A_96 : vector<16xi1>, vector<16xf32>
        %parallel_loop3A_110 = arith.constant 16 : i32
        %parallel_loop3A_111 = arith.muli %parallel_loop3A_71, %parallel_loop3A_110 : i32
        %parallel_loop3A_112 = arith.addi %mul3A_2, %parallel_loop3A_111 : i32
        %parallel_loop3A_113 = arith.index_cast %parallel_loop3A_112 : i32 to index
        %parallel_loop3A_114 = tpu.vector_load %arg14[%parallel_loop3A_113] {strides = array<i32>} : memref<10240xf32, #tpu.memory_space<vmem>>, vector<16xf32>,
        tpu.vector_store %arg14[%parallel_loop3A_113], %parallel_loop3A_109 {strides = array<i32>} : memref<10240xf32, #tpu.memory_space<vmem>>, vector<16xf32>,
      } {sc.loop_unroll_factor = 4 : i64, sc.parallel_access}
      %add3A_60 = arith.constant 320 : i32
      %add3A_61 = arith.addi %mul3A_2, %add3A_60 : i32
      %add3A_62 = arith.constant 320 : i32
      %add3A_63 = arith.addi %mul3A_2, %add3A_62 : i32
      "tpu.region"() ({
        %run_scoped3A = tpu.sem_alloc : memref<!tpu.dma_semaphore, #tpu.memory_space<semaphore_mem>>
        %dma_start3A_71 = tpu.memref_slice %arg14[%add3A_61] : memref<10240xf32, #tpu.memory_space<vmem>> -> memref<320xf32, #tpu.memory_space<vmem>>
        %dma_start3A_72 = tpu.memref_slice %arg28[%add3A_63] : memref<10240xf32, #tpu.memory_space<vmem_shared>> -> memref<320xf32, #tpu.memory_space<vmem_shared>>
        %dma_start3A_73 = tpu.memref_slice %arg28[%add3A_63] : memref<10240xf32, #tpu.memory_space<vmem_shared>> -> memref<320xf32, #tpu.memory_space<vmem_shared>>
        %dma_start3A_74 = tpu.memref_slice %arg14[%add3A_61] : memref<10240xf32, #tpu.memory_space<vmem>> -> memref<320xf32, #tpu.memory_space<vmem>>
        tpu.enqueue_dma source(%dma_start3A_74 : memref<320xf32, #tpu.memory_space<vmem>>) target(%dma_start3A_73 : memref<320xf32, #tpu.memory_space<vmem_shared>>) target_semaphore(%run_scoped3A : memref<!tpu.dma_semaphore, #tpu.memory_space<semaphore_mem>>)
        %dma_wait3A_75 = tpu.memref_slice %arg14[%add3A_61] : memref<10240xf32, #tpu.memory_space<vmem>> -> memref<320xf32, #tpu.memory_space<vmem>>
        %dma_wait3A_76 = tpu.memref_slice %arg28[%add3A_63] : memref<10240xf32, #tpu.memory_space<vmem_shared>> -> memref<320xf32, #tpu.memory_space<vmem_shared>>
        %dma_wait3A_77 = tpu.memref_slice %arg28[%add3A_63] : memref<10240xf32, #tpu.memory_space<vmem_shared>> -> memref<320xf32, #tpu.memory_space<vmem_shared>>
        %dma_wait3A_78 = tpu.memref_slice %arg14[%add3A_61] : memref<10240xf32, #tpu.memory_space<vmem>> -> memref<320xf32, #tpu.memory_space<vmem>>
        tpu.wait_dma2 semaphore(%run_scoped3A : memref<!tpu.dma_semaphore, #tpu.memory_space<semaphore_mem>>) src(%dma_wait3A_78 : memref<320xf32, #tpu.memory_space<vmem>>) dst(%dma_wait3A_77 : memref<320xf32, #tpu.memory_space<vmem_shared>>)
        tpu.yield
      }) : () -> ()
      %dma_wait3A = tpu.memref_slice %arg14[%mul3A_2] : memref<10240xf32, #tpu.memory_space<vmem>> -> memref<320xf32, #tpu.memory_space<vmem>>
      %dma_wait3A_64 = tpu.memref_slice %arg28[%mul3A_2] : memref<10240xf32, #tpu.memory_space<vmem_shared>> -> memref<320xf32, #tpu.memory_space<vmem_shared>>
      %dma_wait3A_65 = tpu.memref_slice %arg28[%mul3A_2] : memref<10240xf32, #tpu.memory_space<vmem_shared>> -> memref<320xf32, #tpu.memory_space<vmem_shared>>
      %dma_wait3A_66 = tpu.memref_slice %arg14[%mul3A_2] : memref<10240xf32, #tpu.memory_space<vmem>> -> memref<320xf32, #tpu.memory_space<vmem>>
      tpu.wait_dma2 semaphore(%arg31 : memref<!tpu.dma_semaphore, #tpu.memory_space<semaphore_mem>>) src(%dma_wait3A_66 : memref<320xf32, #tpu.memory_space<vmem>>) dst(%dma_wait3A_65 : memref<320xf32, #tpu.memory_space<vmem_shared>>)
      %barrier3A_67 = arith.constant 0 : index
      tpu.barrier barrier_id(%barrier3A_67)
      tpu.enqueue_dma source(%arg28 : memref<10240xf32, #tpu.memory_space<vmem_shared>>) target(%arg14 : memref<10240xf32, #tpu.memory_space<vmem>>) target_semaphore(%arg30 : memref<!tpu.dma_semaphore, #tpu.memory_space<semaphore_mem>>)
      %parallel_loop3A_68 = arith.constant 0 : i32
      %parallel_loop3A_69 = arith.constant 80 : i32
      %parallel_loop3A_70 = arith.constant 1 : i32
      scf.for %parallel_loop3A_71 = %parallel_loop3A_68 to %parallel_loop3A_69 step %parallel_loop3A_70  : i32 {
        %parallel_loop3A_72 = arith.index_cast %parallel_loop3A_71 : i32 to index
        %parallel_loop3A_73 = arith.constant 0 : index
        %parallel_loop3A_74 = tpu.vector_load %arg15[%parallel_loop3A_72, %parallel_loop3A_73] {strides = array<i32>} : memref<80x128xf32, #tpu.memory_space<vmem>>, vector<16xf32>,
        tpu.vector_store %arg15[%parallel_loop3A_72, %parallel_loop3A_73], %broadcast_in_dim3A_10 {strides = array<i32>} : memref<80x128xf32, #tpu.memory_space<vmem>>, vector<16xf32>,
        %parallel_loop3A_75 = arith.index_cast %parallel_loop3A_71 : i32 to index
        %parallel_loop3A_76 = arith.constant 16 : index
        %parallel_loop3A_77 = tpu.vector_load %arg15[%parallel_loop3A_75, %parallel_loop3A_76] {strides = array<i32>} : memref<80x128xf32, #tpu.memory_space<vmem>>, vector<16xf32>,
        tpu.vector_store %arg15[%parallel_loop3A_75, %parallel_loop3A_76], %broadcast_in_dim3A_10 {strides = array<i32>} : memref<80x128xf32, #tpu.memory_space<vmem>>, vector<16xf32>,
        %parallel_loop3A_78 = arith.index_cast %parallel_loop3A_71 : i32 to index
        %parallel_loop3A_79 = arith.constant 32 : index
        %parallel_loop3A_80 = tpu.vector_load %arg15[%parallel_loop3A_78, %parallel_loop3A_79] {strides = array<i32>} : memref<80x128xf32, #tpu.memory_space<vmem>>, vector<16xf32>,
        tpu.vector_store %arg15[%parallel_loop3A_78, %parallel_loop3A_79], %broadcast_in_dim3A_10 {strides = array<i32>} : memref<80x128xf32, #tpu.memory_space<vmem>>, vector<16xf32>,
        %parallel_loop3A_81 = arith.index_cast %parallel_loop3A_71 : i32 to index
        %parallel_loop3A_82 = arith.constant 48 : index
        %parallel_loop3A_83 = tpu.vector_load %arg15[%parallel_loop3A_81, %parallel_loop3A_82] {strides = array<i32>} : memref<80x128xf32, #tpu.memory_space<vmem>>, vector<16xf32>,
        tpu.vector_store %arg15[%parallel_loop3A_81, %parallel_loop3A_82], %broadcast_in_dim3A_10 {strides = array<i32>} : memref<80x128xf32, #tpu.memory_space<vmem>>, vector<16xf32>,
        %parallel_loop3A_84 = arith.index_cast %parallel_loop3A_71 : i32 to index
        %parallel_loop3A_85 = arith.constant 64 : index
        %parallel_loop3A_86 = tpu.vector_load %arg15[%parallel_loop3A_84, %parallel_loop3A_85] {strides = array<i32>} : memref<80x128xf32, #tpu.memory_space<vmem>>, vector<16xf32>,
        tpu.vector_store %arg15[%parallel_loop3A_84, %parallel_loop3A_85], %broadcast_in_dim3A_10 {strides = array<i32>} : memref<80x128xf32, #tpu.memory_space<vmem>>, vector<16xf32>,
        %parallel_loop3A_87 = arith.index_cast %parallel_loop3A_71 : i32 to index
        %parallel_loop3A_88 = arith.constant 80 : index
        %parallel_loop3A_89 = tpu.vector_load %arg15[%parallel_loop3A_87, %parallel_loop3A_88] {strides = array<i32>} : memref<80x128xf32, #tpu.memory_space<vmem>>, vector<16xf32>,
        tpu.vector_store %arg15[%parallel_loop3A_87, %parallel_loop3A_88], %broadcast_in_dim3A_10 {strides = array<i32>} : memref<80x128xf32, #tpu.memory_space<vmem>>, vector<16xf32>,
        %parallel_loop3A_90 = arith.index_cast %parallel_loop3A_71 : i32 to index
        %parallel_loop3A_91 = arith.constant 96 : index
        %parallel_loop3A_92 = tpu.vector_load %arg15[%parallel_loop3A_90, %parallel_loop3A_91] {strides = array<i32>} : memref<80x128xf32, #tpu.memory_space<vmem>>, vector<16xf32>,
        tpu.vector_store %arg15[%parallel_loop3A_90, %parallel_loop3A_91], %broadcast_in_dim3A_10 {strides = array<i32>} : memref<80x128xf32, #tpu.memory_space<vmem>>, vector<16xf32>,
        %parallel_loop3A_93 = arith.index_cast %parallel_loop3A_71 : i32 to index
        %parallel_loop3A_94 = arith.constant 112 : index
        %parallel_loop3A_95 = tpu.vector_load %arg15[%parallel_loop3A_93, %parallel_loop3A_94] {strides = array<i32>} : memref<80x128xf32, #tpu.memory_space<vmem>>, vector<16xf32>,
        tpu.vector_store %arg15[%parallel_loop3A_93, %parallel_loop3A_94], %broadcast_in_dim3A_10 {strides = array<i32>} : memref<80x128xf32, #tpu.memory_space<vmem>>, vector<16xf32>,
      } {sc.loop_unroll_factor = 8 : i64, sc.parallel_access}
      tpu.wait_dma2 semaphore(%arg30 : memref<!tpu.dma_semaphore, #tpu.memory_space<semaphore_mem>>) src(%arg28 : memref<10240xf32, #tpu.memory_space<vmem_shared>>) dst(%arg14 : memref<10240xf32, #tpu.memory_space<vmem>>)
    }
    %scan3A_36 = arith.constant 150 : i32
    %eq3A = arith.constant 0 : i32
    %eq3A_37 = arith.cmpi eq, %arg0, %eq3A : i32
    %convert_element_type3A = arith.extui %eq3A_37 : i1 to i32
    %cond3A = arith.constant 0 : i32
    %cond3A_38 = arith.cmpi ne, %convert_element_type3A, %cond3A : i32
    scf.if %cond3A_38 {
      %mul3A_39 = arith.constant 16 : i32
      %mul3A_40 = arith.muli %arg1, %mul3A_39 : i32
      "tpu.region"() ({
        %run_scoped3A = tpu.sem_alloc : memref<!tpu.dma_semaphore, #tpu.memory_space<semaphore_mem>>
        %dma_start3A = tpu.memref_slice %arg8[%mul3A_40] : memref<256xi32, #tpu.memory_space<hbm>> -> memref<16xi32, #tpu.memory_space<hbm>>
        %dma_start3A_50 = tpu.memref_slice %arg8[%mul3A_40] : memref<256xi32, #tpu.memory_space<hbm>> -> memref<16xi32, #tpu.memory_space<hbm>>
        tpu.enqueue_dma source(%dma_start3A_50 : memref<16xi32, #tpu.memory_space<hbm>>) target(%arg24 : memref<16xi32, #tpu.memory_space<vmem>>) target_semaphore(%run_scoped3A : memref<!tpu.dma_semaphore, #tpu.memory_space<semaphore_mem>>)
        %dma_wait3A = tpu.memref_slice %arg8[%mul3A_40] : memref<256xi32, #tpu.memory_space<hbm>> -> memref<16xi32, #tpu.memory_space<hbm>>
        %dma_wait3A_51 = tpu.memref_slice %arg8[%mul3A_40] : memref<256xi32, #tpu.memory_space<hbm>> -> memref<16xi32, #tpu.memory_space<hbm>>
        tpu.wait_dma2 semaphore(%run_scoped3A : memref<!tpu.dma_semaphore, #tpu.memory_space<semaphore_mem>>) src(%dma_wait3A_51 : memref<16xi32, #tpu.memory_space<hbm>>) dst(%arg24 : memref<16xi32, #tpu.memory_space<vmem>>)
        tpu.yield
      }) : () -> ()
      %mul3A_41 = arith.constant 16 : i32
      %mul3A_42 = arith.muli %arg1, %mul3A_41 : i32
      "tpu.region"() ({
        %run_scoped3A = tpu.sem_alloc : memref<!tpu.dma_semaphore, #tpu.memory_space<semaphore_mem>>
        %dma_start3A = tpu.memref_slice %arg9[%mul3A_42] : memref<256xf32, #tpu.memory_space<hbm>> -> memref<16xf32, #tpu.memory_space<hbm>>
        %dma_start3A_50 = tpu.memref_slice %arg9[%mul3A_42] : memref<256xf32, #tpu.memory_space<hbm>> -> memref<16xf32, #tpu.memory_space<hbm>>
        tpu.enqueue_dma source(%dma_start3A_50 : memref<16xf32, #tpu.memory_space<hbm>>) target(%arg25 : memref<16xf32, #tpu.memory_space<vmem>>) target_semaphore(%run_scoped3A : memref<!tpu.dma_semaphore, #tpu.memory_space<semaphore_mem>>)
        %dma_wait3A = tpu.memref_slice %arg9[%mul3A_42] : memref<256xf32, #tpu.memory_space<hbm>> -> memref<16xf32, #tpu.memory_space<hbm>>
        %dma_wait3A_51 = tpu.memref_slice %arg9[%mul3A_42] : memref<256xf32, #tpu.memory_space<hbm>> -> memref<16xf32, #tpu.memory_space<hbm>>
        tpu.wait_dma2 semaphore(%run_scoped3A : memref<!tpu.dma_semaphore, #tpu.memory_space<semaphore_mem>>) src(%dma_wait3A_51 : memref<16xf32, #tpu.memory_space<hbm>>) dst(%arg25 : memref<16xf32, #tpu.memory_space<vmem>>)
        tpu.yield
      }) : () -> ()
      %get3A = arith.constant 0 : index
      %get3A_43 = tpu.vector_load %arg24[%get3A] {strides = array<i32>} : memref<16xi32, #tpu.memory_space<vmem>>, vector<16xi32>,
      %gather3A = tpu.vector_load_idx %arg14[%get3A_43] : memref<10240xf32, #tpu.memory_space<vmem>>[vector<16xi32>], vector<16xf32>,
      %get3A_44 = arith.constant 0 : index
      %get3A_45 = tpu.vector_load %arg25[%get3A_44] {strides = array<i32>} : memref<16xf32, #tpu.memory_space<vmem>>, vector<16xf32>,
      %mul3A_46 = arith.mulf %gather3A, %get3A_45 : vector<16xf32>
      %swap3A = arith.constant 0 : index
      %swap3A_47 = tpu.vector_load %arg26[%swap3A] {strides = array<i32>} : memref<16xf32, #tpu.memory_space<vmem>>, vector<16xf32>,
      tpu.vector_store %arg26[%swap3A], %mul3A_46 {strides = array<i32>} : memref<16xf32, #tpu.memory_space<vmem>>, vector<16xf32>,
      %mul3A_48 = arith.constant 16 : i32
      %mul3A_49 = arith.muli %arg1, %mul3A_48 : i32
      "tpu.region"() ({
        %run_scoped3A = tpu.sem_alloc : memref<!tpu.dma_semaphore, #tpu.memory_space<semaphore_mem>>
        %dma_start3A = tpu.memref_slice %arg10[%mul3A_49] : memref<256xf32, #tpu.memory_space<hbm>> -> memref<16xf32, #tpu.memory_space<hbm>>
        %dma_start3A_50 = tpu.memref_slice %arg10[%mul3A_49] : memref<256xf32, #tpu.memory_space<hbm>> -> memref<16xf32, #tpu.memory_space<hbm>>
        tpu.enqueue_dma source(%arg26 : memref<16xf32, #tpu.memory_space<vmem>>) target(%dma_start3A_50 : memref<16xf32, #tpu.memory_space<hbm>>) target_semaphore(%run_scoped3A : memref<!tpu.dma_semaphore, #tpu.memory_space<semaphore_mem>>)
        %dma_wait3A = tpu.memref_slice %arg10[%mul3A_49] : memref<256xf32, #tpu.memory_space<hbm>> -> memref<16xf32, #tpu.memory_space<hbm>>
        %dma_wait3A_51 = tpu.memref_slice %arg10[%mul3A_49] : memref<256xf32, #tpu.memory_space<hbm>> -> memref<16xf32, #tpu.memory_space<hbm>>
        tpu.wait_dma2 semaphore(%run_scoped3A : memref<!tpu.dma_semaphore, #tpu.memory_space<semaphore_mem>>) src(%arg26 : memref<16xf32, #tpu.memory_space<vmem>>) dst(%dma_wait3A_51 : memref<16xf32, #tpu.memory_space<hbm>>)
        tpu.yield
      }) : () -> ()
    } else {
    }
    return
  }
}

</mosaic_0001>

<sc_bundles>
// kernel: kernel.3.cloned.1.call-start
scs
__scs_entry_jumppad:
0x0: {  	(pc) =	sbr.rel $0x88, $3  }
0x1: {  	(tag) =	ssettag $0x0;
	lr =	simm.s32 $0x1  }
0x2: {  	[smem:$0x3F98] =	sst lr;
	_ =	strace $0xD0000000  }
0x3: {  	_ = 	snop  }
0x4: {  	_ = 	snop  }
0x5: {  	_ = 	snop  }
0x6: {  	_ = 	snop  }
0x7: {  	_ = 	snop  }
__scs_overlays_trampoline_lowered:
0x8: {  	[smem:$0x3FA7] =	sst s0  }
0x9: {  	[smem:$0x3FA8] =	sst s1  }
0xa: {  	[smem:$0x3FA9] =	sst s2  }
0xb: {  	[smem:$0x3FAA] =	sst s3  }
0xc: {  	[smem:$0x3FAB] =	sst s4  }
0xd: {  	[smem:$0x3FAC] =	sst s5  }
0xe: {  	[smem:$0x3FAD] =	sst s6  }
0xf: {  	[smem:$0x3FAE] =	sst s7  }
0x10: {  	[smem:$0x3FAF] =	sst s8  }
0x11: {  	[smem:$0x3FB0] =	sst s9;
	s0 =	simm.s32 @!p0 $0x0  }
0x12: {  	s1 =	sld [smem:$0x3F96];
	s0 =	simm.s32 @p0 $0x1  }
0x13: {  	[smem:$0x3FB1] =	sst s0;
	s0 =	simm.s32 @!p1 $0x0  }
0x14: {  	s2 =	sld [smem:$0x3F95];
	s0 =	simm.s32 @p1 $0x1  }
0x15: {  	[smem:$0x3FB2] =	sst s0;
	s0 =	simm.s32 @!p2 $0x0  }
0x16: {  	s3 =	sld [smem:$0x3FDB];
	s0 =	simm.s32 @p2 $0x1  }
0x17: {  	s4 =	simm.s32 $0x1BF5;
	[smem:$0x3FB4] =	sst s0  }
0x18: {  	s0 =	sld [smem:$0x3F97];
	_ =	swait.ge [sflag:s4], $0x0  }
0x19: {  	s7 =	sld [smem:$0x3F98]  }
0x1a: {  	s8 =	sadd.s32 $0xFFFFE003, lr  }
0x1b: {  	s9 =	sadd.s32 $0xFFFFFEF7, lr;
	s5 =	simm.s32 $0xFFFFFFFF;
	p2 =	slt.u32 s8, $0xFFFFF086  }
0x1c: {  	p1 =	slt.u32 s9, $0xF7A;
	s5 =	simm.s32 @!p2 $0x0  }
0x1d: {  	s5 =	simm.s32 @p1 $0x1;
	p0 =	seq.s32 s7, s2  }
0x1e: {  	s7 =	smul.u32 @!p0 $0xF7A, s2;
	p2 =	seq.s32 @!p0 s5, $0x0  }
0x1f: {  	s9 =	smul.u32 $0xF7A, s1;
	s8 =	simm.s32 @!p0 $0x1BF5;
	p2 =	por !p2, p0  }
0x20: {  	[sflag:s8] =	ssyncset.s32 @!p0 $0xFFFFF086;
	s6 =	sadd.s32 @!p0 s3, s7;
	s7 =	simm.s32 @!p0 $0x108  }
0x21: {  	s3 =	sadd.s32 s3, s9;
	s6 =	sadd.s32 @!p0 $0x88, s6;
	s7 =	simm.s32 @p2 $0x1082  }
0x22: {  	[simem:s7], [sflag:s8] =	dma.local @!p0 [hbm:s6], $0xF7A  }
0x23: {  	s9 =	sor.u32 $0xD0000000, s2;
	s6 =	simm.s32 $0x108;
	_ =	swait.ge @!p0 [sflag:s8], $0x0  }
0x24: {  	s3 =	sadd.s32 $0x88, s3;
	s6 =	simm.s32 @!p1 $0x1082;
	[sflag:s4] =	ssyncset.s32 $0xFFFFF086  }
0x25: {  	[simem:s6], [sflag:s4] =	dma.local [hbm:s3], $0xF7A  }
0x26: {  	[smem:$0x3F98] =	sst s1;
	(tag) =	ssettag s2;
	_ =	strace s9  }
0x27: {  	s1 =	sld [smem:$0x3FA8]  }
0x28: {  	s2 =	sld [smem:$0x3FA9]  }
0x29: {  	s4 =	sld [smem:$0x3FAB]  }
0x2a: {  	p0 =	seq.s32 s5, $0x0;
	s5 =	sld [smem:$0x3FAC]  }
0x2b: {  	s6 =	sld [smem:$0x3FAD]  }
0x2c: {  	s7 =	sld [smem:$0x3FAE]  }
0x2d: {  	s3 =	simm.s32 $0x108;
	s8 =	sld [smem:$0x3FAF]  }
0x2e: {  	s3 =	simm.s32 @!p0 $0x1082;
	s9 =	sld [smem:$0x3FB0]  }
0x2f: {  	lr =	sadd.s32 s0, s3;
	s0 =	sld [smem:$0x3FA7]  }
0x30: {  	s3 =	sld [smem:$0x3FAA]  }
0x31: {  	[smem:$0x3FB3] =	sst s10  }
0x32: {  	s10 =	sld [smem:$0x3FB1];
	_ =	sdelay $0x3  }
0x33: {  	p0 =	seq.s32 s10, $0x1;
	s10 =	sld [smem:$0x3FB3];
	_ =	sdelay $0x3  }
0x34: {  	[smem:$0x3FB3] =	sst s10  }
0x35: {  	s10 =	sld [smem:$0x3FB2];
	_ =	sdelay $0x3  }
0x36: {  	p1 =	seq.s32 s10, $0x1;
	s10 =	sld [smem:$0x3FB3];
	_ =	sdelay $0x3  }
0x37: {  	[smem:$0x3FB3] =	sst s10  }
0x38: {  	s10 =	sld [smem:$0x3FB4]  }
0x39: {  	_ = 	snop;
	(pc) =	sbr.ind lr, $3  }
0x3a: {  	_ = 	snop  }
0x3b: {  	_ = 	snop  }
0x3c: {  	p2 =	seq.s32 s10, $0x1;
	s10 =	sld [smem:$0x3FB3]  }
0x3d: {  	_ =	shalt  }
0x3e: {  	_ =	shalt  }
0x3f: {  	_ =	shalt  }
0x40: {  	_ =	shalt  }
0x41: {  	_ =	shalt  }
0x42: {  	_ =	shalt  }
0x43: {  	_ =	shalt  }
0x44: {  	_ =	shalt  }
0x45: {  	_ =	shalt  }
0x46: {  	_ =	shalt  }
0x47: {  	_ =	shalt  }
0x48: {  	_ =	shalt  }
0x49: {  	_ =	shalt  }
0x4a: {  	_ =	shalt  }
0x4b: {  	_ =	shalt  }
0x4c: {  	_ =	shalt  }
0x4d: {  	_ =	shalt  }
0x4e: {  	_ =	shalt  }
0x4f: {  	_ =	shalt  }
0x50: {  	_ =	shalt  }
0x51: {  	_ =	shalt  }
0x52: {  	_ =	shalt  }
0x53: {  	_ =	shalt  }
0x54: {  	_ =	shalt  }
0x55: {  	_ =	shalt  }
0x56: {  	_ =	shalt  }
0x57: {  	_ =	shalt  }
0x58: {  	_ =	shalt  }
0x59: {  	_ =	shalt  }
0x5a: {  	_ =	shalt  }
0x5b: {  	_ =	shalt  }
0x5c: {  	_ =	shalt  }
0x5d: {  	_ =	shalt  }
0x5e: {  	_ =	shalt  }
0x5f: {  	_ =	shalt  }
0x60: {  	_ =	shalt  }
0x61: {  	_ =	shalt  }
0x62: {  	_ =	shalt  }
0x63: {  	_ =	shalt  }
0x64: {  	_ =	shalt  }
0x65: {  	_ =	shalt  }
0x66: {  	_ =	shalt  }
0x67: {  	_ =	shalt  }
0x68: {  	_ =	shalt  }
0x69: {  	_ =	shalt  }
0x6a: {  	_ =	shalt  }
0x6b: {  	_ =	shalt  }
0x6c: {  	_ =	shalt  }
0x6d: {  	_ =	shalt  }
0x6e: {  	_ =	shalt  }
0x6f: {  	_ =	shalt  }
0x70: {  	_ =	shalt  }
0x71: {  	_ =	shalt  }
0x72: {  	_ =	shalt  }
0x73: {  	_ =	shalt  }
0x74: {  	_ =	shalt  }
0x75: {  	_ =	shalt  }
0x76: {  	_ =	shalt  }
0x77: {  	_ =	shalt  }
0x78: {  	_ =	shalt  }
0x79: {  	_ =	shalt  }
0x7a: {  	_ =	shalt  }
0x7b: {  	_ =	shalt  }
0x7c: {  	_ =	shalt  }
0x7d: {  	_ =	shalt  }
0x7e: {  	_ =	shalt  }
0x7f: {  	_ =	shalt  }
0x80: {  	_ =	shalt  }
0x81: {  	_ =	shalt  }
0x82: {  	_ =	shalt  }
0x83: {  	_ =	shalt  }
0x84: {  	_ =	shalt  }
0x85: {  	_ =	shalt  }
0x86: {  	_ =	shalt  }
0x87: {  	_ =	shalt  }
.Lfunc_end0:
.L_simem_size_0:
called_computation_lowered:
.L_overlay_start_0:
0x88: {  	s2 =	sld [smem:$0x3FD9]  }
0x89: {  	s3 =	sld [smem:$0x3FFE];
	_ =	sdelay $0x1  }
0x8a: {  	s1 =	srdreg.scid  }
0x8b: {  	s0 =	sand.u32 $0x1, s1  }
0x8c: {  	s17 =	sshll.u32 s0, $0xA;
	s2 =	sadd.s32 s3, s2  }
0x8d: {  	s2 =	sadd.s32 s2, s17  }
0x8e: {  	[smem:$0x3FBF] =	sst s2  }
0x8f: {  	_ = 	snop  }
0x90: {  	s2 =	sld [smem:$0x3FC9]  }
0x91: {  	s18 =	sld [smem:$0x3FC8]  }
0x92: {  	s4 =	sld [smem:$0x3FC7]  }
0x93: {  	s5 =	sld [smem:$0x3FC5]  }
0x94: {  	s6 =	sld [smem:$0x3FC2]  }
0x95: {  	s7 =	sld [smem:$0x3FC1]  }
0x96: {  	s8 =	sld [smem:$0x3FD0];
	(tm) =	ssettm $0x1  }
0x97: {  	s9 =	sld [smem:$0x3FFB];
	_ =	sdelay $0x3  }
0x98: {  	_ =	strace s9  }
0x99: {  	s9 =	sld [smem:$0x3FFC];
	_ =	sdelay $0x3  }
0x9a: {  	_ =	strace s9  }
0x9b: {  	s9 =	sld [smem:$0x3FFD];
	_ =	sdelay $0x3  }
0x9c: {  	_ =	strace s9  }
0x9d: {  	_ =	strace $0x8FFFFFFF  }
0x9e: {  	s19 =	sld [smem:$0x3FDB];
	_ =	sdelay $0x1  }
0x9f: {  	s10 =	simm.s32 $_scs_section_size  }
0xa0: {  	s11 =	simm.s32 $_size__tile_overlayer_lowered;
	s12 =	simm.s32 $_tile_overlayer_lowered  }
0xa1: {  	s22 =	simm.s32 $0x1BFF;
	s21 =	sshll.u32 s12, $0x1;
	s9 =	sadd.s32 s10, s19  }
0xa2: {  	s13 =	simm.s32 $0x0;
	s20 =	sshll.u32 s11, $0x1;
	s11 =	sadd.s32 s21, s9  }
0xa3: {  	[timem:s13], [sflag:s22] =	dma.local [hbm:s11], s20  }
0xa4: {  	_ =	swait.ge [sflag:s22], s20  }
0xa5: {  	s10 =	ssub.s32 $0x0, s20;
	[sflag:s22] =	ssyncset.done $0x0  }
0xa6: {  	[sflag:s22] =	ssyncadd.s32 s10;
	_ =	sdelay $0x1  }
0xa7: {  	s23 =	simm.s32 $0x1B8B  }
0xa8: {  	_ =	swait.ge [sflag:s23], $0x1  }
0xa9: {  	[sflag:s23] =	ssyncset.done $0x0  }
0xaa: {  	s25 =	simm.s32 $0x1B8E;
	s24 =	sld [smem:$0x3FFE];
	[sflag:s23] =	ssyncadd.s32 $0xFFFFFFFF  }
0xab: {  	s26 =	simm.s32 $execute0_lowered;
	[smem:$0x3FD2] =	sst s25  }
0xac: {  	s11 =	sshll.u32 s26, $0x1;
	_ =	strace $0x80000046;
	[dreg:$0x1] =	wrdreg $0xFFFFFFFF  }
0xad: {  	s28 =	simm.s32 $_size_execute0_lowered;
	s9 =	sadd.s32 s9, s11;
	[dreg:$0x0] =	wrdreg $0x0  }
0xae: {  	s11 =	sshll.u32 s28, $0x1;
	[dreg:$0x2] =	wrdreg s9  }
0xaf: {  	[dreg:$0x3] =	wrdreg s11  }
0xb0: {  	[dreg:$0x4] =	wrdreg $0xC0  }
0xb1: {  	_ =	task [dreg:s13], $0x5FFFF  }
0xb2: {  	[dreg:$0x1] =	wrdreg $0xFFFFFFFF  }
0xb3: {  	[dreg:$0x0] =	wrdreg $0x60  }
0xb4: {  	[dreg:$0x2] =	wrdreg s24  }
0xb5: {  	[dreg:$0x3] =	wrdreg s4  }
0xb6: {  	[dreg:$0x4] =	wrdreg s2  }
0xb7: {  	[dreg:$0x5] =	wrdreg s18  }
0xb8: {  	[dreg:$0x6] =	wrdreg s6  }
0xb9: {  	[dreg:$0x7] =	wrdreg s7  }
0xba: {  	[dreg:$0x8] =	wrdreg s5  }
0xbb: {  	[dreg:$0x9] =	wrdreg s8  }
0xbc: {  	[dreg:$0xa] =	wrdreg $0x103800  }
0xbd: {  	[dreg:$0xb] =	wrdreg $0x106000  }
0xbe: {  	[dreg:$0xc] =	wrdreg $0x9  }
0xbf: {  	_ =	task.clear_ibuf [dreg:s13], $0xDFFFF;
	_ =	strace $0x90000046  }
0xc0: {  	s29 =	simm.s32 $0x9;
	_ =	strace $0x80000048  }
0xc1: {  	_ =	swait.ge [sflag:s29], $0x1  }
0xc2: {  	[sflag:s29] =	ssyncadd.s32 $0xFFFFFFFF  }
0xc3: {  	_ =	strace $0x90000048  }
0xc4: {  	_ =	sfence  }
0xc5: {  	s30 =	sld [smem:$0x0];
	_ =	sdelay $0x2  }
0xc6: {  	s31 =	sshll.u32 s1, $0xD;
	s1 =	sshrl.u32 s1, $0x2  }
0xc7: {  	s3 =	sand.u32 $0x4000, s31;
	s1 =	sadd.s32 s1, s30  }
0xc8: {  	s0 =	sor.u32 s3, s0;
	s1 =	sshll.u32 s1, $0x11  }
0xc9: {  	s0 =	sor.u32 s1, s0  }
0xca: {  	s0 =	sadd.s32 $0x8F2B, s0  }
0xcb: {  	[sflag:s0] =	ssyncadd.remote.s32 $0x1  }
0xcc: {  	_ =	sfence.sel $0xFFFF  }
0xcd: {  	[dreg:$0x0] =	wrdreg $0xFFFFFFFF;
	(pc) =	sbr.abs _section_cstart, $3  }
0xce: {  	[dreg:$0x1] =	wrdreg $0xFFFFFFFF  }
0xcf: {  	_ =	task.clear_ibuf [dreg:s13], $0x2FFFF;
	_ =	strace $0x9FFFFFFF  }
0xd0: {  	(tm) =	ssettm $0x7FFFFFFF  }
0xd1: {  	_ =	shalt  }
tec
execute0_lowered:
.L_overlay_start_1:
0x0: {  	(tag) =	ssettag $0x1  }
0x1: {  	s0 =	rddreg [dreg:$0x0]  }
0x2: {  	s1 =	rddreg [dreg:$0x1]  }
0x3: {  	s2 =	rddreg [dreg:$0x5]  }
0x4: {  	s3 =	rddreg [dreg:$0x6]  }
0x5: {  	s4 =	rddreg [dreg:$0x7]  }
0x6: {  	s14 =	rddreg [dreg:$0x8];
	s5 =	srdreg.scid  }
0x7: {  	s17 =	rddreg [dreg:$0x9];
	s18 =	stileid.u32;
	s9 =	simm.s32 $0x0  }
0x8: {  	s31 =	simm.s32 $0xEF80;
	s6 =	sand.u32 $0x1, s5;
	s8 =	smul.u32 $0x280, s18  }
0x9: {  	[smem:$0x7FF] =	sst s9;
	s9 =	sadd.s32 $0x14400, s0;
	s15 =	smul.u32 $0xA00, s18  }
0xa: {  	s22 =	sshll.u32 s18, $0xA;
	s28 =	sshll.u32 s18, $0x1;
	s7 =	sshll.u32 s6, $0x4  }
0xb: {  	_ =	strace $0x80000047;
	s10 =	ssub.s32 $0x2, s6;
	s21 =	sshll.u32 s6, $0xE  }
0xc: {  	s23 =	sxor.u32 $0x1, s6;
	s2 =	sadd.s32 s2, s28;
	s29 =	sadd.s32 s3, s28  }
0xd: {  	s30 =	sadd.s32 s4, s28;
	p0 =	sne.s32 s6, $0x0;
	s4 =	simm.s32 $0x0  }
0xe: {  	s7 =	sor.u32 s18, s7;
	s13 =	sshrl.u32 s8, $0x3;
	s19 =	sadd.s32 $0x280, s8  }
0xf: {  	s20 =	sshrl.u32 s15, $0x2;
	s15 =	sand.u32 $0x2, s5;
	[dreg:$0x10] =	wrdreg s2  }
0x10: {  	s24 =	sor.u32 s22, s21;
	s5 =	sshrl.u32 s5, $0x2;
	[dreg:$0x11] =	wrdreg s29  }
0x11: {  	s26 =	sshll.u32 s23, $0xE;
	s17 =	sadd.s32 s8, s17;
	[dreg:$0x12] =	wrdreg s30  }
0x12: {  	s21 =	sadd.s32 $0x9D00, s8;
	s2 =	simm.s32 $0xC500;
	s18 =	simm.s32 $0x2  }
0x13: {  	s7 =	smul.u32 $0x9C4, s7;
	s12 =	sadd.s32 s13, s0;
	[dreg:$0xe] =	wrdreg s24  }
0x14: {  	s13 =	sshrl.u32 s10, $0x1;
	s25 =	sor.u32 s23, s15;
	[dreg:$0xf] =	wrdreg s5  }
0x15: {  	s5 =	simm.s32 $0xED00;
	s16 =	sadd.s32 $0x400, s12;
	s12 =	simm.s32 $0x3  }
0x16: {  	s11 =	sadd.s32 s7, s0;
	s0 =	ssub.s32 s10, s13;
	s1 =	sadd.s32 s1, s7  }
0x17: {  	[dreg:$0xd] =	wrdreg s16;
	s13 =	sadd.s32 s20, s14;
	s16 =	sor.u32 s22, s26  }
0x18: {  	s22 =	sadd.s32 $0x140, s17;
	s26 =	simm.s32 $0x4;
	s10 =	simm.s32 $0x1  }
0x19: {  	v1 =	vlaneseq.u32;
	v3 =	vimm.f32 $0.0e+00;
	s11 =	sadd.s32 $0xA00, s11;
	[dreg:$0xc] =	wrdreg s1;
	s1 =	sor.u32 $0x4, s25  }
0x1a: {  	v4 =	vor.u32 $0x10, v1;
	v5 =	vor.u32 $0x20, v1;
	v6 =	vor.u32 $0x30, v1;
	s0 =	smax.u32 s0, $0x1;
	s25 =	sadd.s32 $0x9E40, s8;
	[dreg:$0xb] =	wrdreg s11  }
0x1b: {  	v7 =	vor.u32 $0x40, v1;
	v2 =	vmov s8;
	v0 =	vmov s19;
	[dreg:$0x13] =	wrdreg s0;
	s24 =	sshll.u32 s1, $0xE;
	s1 =	simm.s32 $0x9D00  }
.LBB2_1:
0x1c: {  	[dreg:$0x14] =	wrdreg s4  }
0x1d: {  	s3 =	simm.s32 $0x0;
	s0 =	rddreg [dreg:$0xb]  }
0x1e: {  	[tilespmem:s3], [sflag:$0x4] =	stream.linear.gather [hbm4b:s0+s3], $0x4E20, $0x38;
	[tilespmem:$0x10880] =	vst v63  }
0x1f: {  	_ =	swait.ge [sflag:s26], $0x4E20  }
0x20: {  	[sflag:s26] =	ssyncset.done $0x0  }
0x21: {  	s14 =	simm.s32 $0x4E80;
	s11 =	rddreg [dreg:$0xc];
	[sflag:s26] =	ssyncadd.s32 $0xFFFFB1E0  }
0x22: {  	[tilespmem:s14], [sflag:$0x4] =	stream.linear.gather [hbm4b:s11+s3], $0x4E20, $0x38;
	[tilespmem:$0x10880] =	vst v63  }
0x23: {  	_ =	swait.ge [sflag:s26], $0x4E20  }
0x24: {  	[sflag:s26] =	ssyncset.done $0x0  }
0x25: {  	s15 =	rddreg [dreg:$0xd];
	[sflag:s26] =	ssyncadd.s32 $0xFFFFB1E0  }
0x26: {  	[tilespmem:s5], [sflag:$0x4] =	stream.linear.gather [hbm4b:s15+s3], $0x280, $0x38;
	[tilespmem:$0x10880] =	vst v63  }
0x27: {  	_ =	swait.ge [sflag:s26], $0x280  }
0x28: {  	[sflag:s26] =	ssyncset.done $0x0  }
0x29: {  	[sflag:s26] =	ssyncadd.s32 $0xFFFFFD80  }
0x2a: {  	s20 =	simm.s32 $0xFC00;
	s19 =	rddreg [dreg:$0x4]  }
0x2b: {  	[tilespmem:s20], [sflag:$0x4] =	stream.linear.gather [hbm4b:s19+s3], $0x200, $0x38;
	[tilespmem:$0x10880] =	vst v63  }
0x2c: {  	_ =	swait.ge [sflag:s26], $0x200  }
0x2d: {  	[sflag:s26] =	ssyncset.done $0x0  }
0x2e: {  	[sflag:s26] =	ssyncadd.s32 $0xFFFFFE00  }
0x2f: {  	s28 =	simm.s32 $0xFE00;
	s23 =	rddreg [dreg:$0x2]  }
0x30: {  	[tilespmem:s28], [sflag:$0x4] =	stream.linear.gather [hbm4b:s23+s3], $0x200, $0x38;
	[tilespmem:$0x10880] =	vst v63  }
0x31: {  	_ =	swait.ge [sflag:s26], $0x200  }
0x32: {  	[sflag:s26] =	ssyncset.done $0x0  }
0x33: {  	[sflag:s26] =	ssyncadd.s32 $0xFFFFFE00  }
0x34: {  	s30 =	simm.s32 $0x10000;
	s29 =	rddreg [dreg:$0x3]  }
0x35: {  	[tilespmem:s30], [sflag:$0x4] =	stream.linear.gather [hbm4b:s29+s3], $0x200, $0x38;
	[tilespmem:$0x10880] =	vst v63  }
0x36: {  	_ =	swait.ge [sflag:s26], $0x200  }
0x37: {  	[sflag:s26] =	ssyncset.done $0x0  }
0x38: {  	s0 =	simm.s32 $0x0;
	[sflag:s26] =	ssyncadd.s32 $0xFFFFFE00  }
.LBB2_2:
0x39: {  	s3 =	sshra.s32 s0, $0x2  }
0x3a: {  	v8 =	vld [tilespmem:s3+$0xFC00];
	_ =	sdelay $0x2  }
0x3b: {  	v9 =	vld [tilespmem:s3+$0xFE00]  }
0x3c: {  	v10 =	vld [tilespmem:s3+$0x10000]  }
0x3d: {  	vm0 =	vge.s32 v8, v2;
	vm1 =	vlt.s32 v8, v0  }
0x3e: {  	v8 =	vsub.s32 v8, v2;
	vm0 =	vmand vm0, vm1  }
0x3f: {  	p1 =	sne.s32 s0, $0x7C0;
	v8 =	vnsel vm0, $0x0, v8  }
.Ltmp0:
0x40: {  	_ = 	snop;
	(pc) =	sbr.rel @p1 .LBB2_2-.Ltmp0, $3  }
0x41: {  	v9 =	vmul.f32 v10, v9;
	_ =	sdelay $0x1  }
0x42: {  	v9 =	vnsel vm0, $0x0, v9  }
0x43: {  	s0 =	sadd.s32 $0x40, s0;
	[tilespmem:v8+s5+$0x0] =	vst.idx.add.f32.msk vm0, v9  }
0x44: {  	s0 =	simm.s32 $0x0;
	s3 =	simm.s32 $0x9D00  }
0x45: {  	s4 =	simm.s32 $0x10;
	[tilespmem:s3+$0x0] =	vst v3;
	s5 =	sand.u32 $0x3FF0, s0  }
.LBB2_4:
0x46: {  	p1 =	sne.s32 s4, $0x27F0  }
0x47: {  	[tilespmem:s5+$0xC500] =	vst v3;
	s3 =	sadd.s32 $0x10, s3;
	s5 =	smov.u32 s4;
	s4 =	sadd.s32 $0x10, s4  }
.Ltmp1:
0x48: {  	(pc) =	sbr.rel @p1 .LBB2_4-.Ltmp1, $2  }
0x49: {  	_ =	sdelay $0x2  }
0x4a: {  	s5 =	sand.u32 $0x3FF0, s5;
	[tilespmem:s3+$0x0] =	vst v3  }
0x4b: {  	[tilespmem:s5+$0xC500] =	vst v3;
	s3 =	simm.s32 $0x10;
	s0 =	sand.u32 $0x3F0, s0  }
.LBB2_6:
0x4c: {  	p1 =	sne.s32 s3, $0x270;
	[tilespmem:s0+$0xF780] =	vst v3;
	s0 =	smov.u32 s3;
	s3 =	sadd.s32 $0x10, s3  }
.Ltmp2:
0x4d: {  	(pc) =	sbr.rel @p1 .LBB2_6-.Ltmp2, $2  }
0x4e: {  	_ =	sdelay $0x2  }
0x4f: {  	s0 =	sand.u32 $0x3F0, s0  }
0x50: {  	[tilespmem:s0+$0xF780] =	vst v3  }
0x51: {  	[tilespmem:$0xFB80] =	vst v1  }
0x52: {  	[tilespmem:$0xFB90] =	vst v4  }
0x53: {  	[tilespmem:$0xFBA0] =	vst v5  }
0x54: {  	[tilespmem:$0xFBB0] =	vst v6  }
0x55: {  	s30 =	simm.s32 $0xF780;
	[tilespmem:$0xFBC0] =	vst v7  }
0x56: {  	[spmem:s13] =	stream.linear.scatter [tilespmem:s30], [sflag:$0x4], $0x280, $0x38;
	[tilespmem:$0x10880] =	vst v63  }
0x57: {  	_ =	swait.ge [sflag:s26], $0x280  }
0x58: {  	[sflag:s26] =	ssyncset.done $0x0  }
0x59: {  	s20 =	simm.s32 $0x0;
	[sflag:s26] =	ssyncadd.s32 $0xFFFFFD80  }
.LBB2_8:
0x5a: {  	s0 =	simm.s32 $0x40  }
0x5b: {  	v8 =	vld [tilespmem:s0+$0x30]  }
0x5c: {  	v9 =	vld [tilespmem:s0+$0xFFFFFFD0]  }
0x5d: {  	v10 =	vld [tilespmem:s0+$0xFFFFFFE0]  }
0x5e: {  	v11 =	vld [tilespmem:s0+$0xFFFFFFF0]  }
0x5f: {  	v12 =	vld [tilespmem:s0+$0x0]  }
0x60: {  	v14 =	vld [tilespmem:s0+$0x10]  }
0x61: {  	v16 =	vld [tilespmem:s0+$0xFFFFFFC0]  }
0x62: {  	s23 =	simm.s32 $0x4EC0;
	v18 =	vld [tilespmem:s0+$0x20]  }
0x63: {  	v23 =	vld [tilespmem:s23+$0x30]  }
0x64: {  	v28 =	vld [tilespmem:s23+$0xFFFFFFC0];
	v13 =	vand.u32 $0x3FFF, v8  }
0x65: {  	v29 =	vld [tilespmem:s23+$0xFFFFFFD0]  }
0x66: {  	v56 =	vld [tilespmem:s23+$0xFFFFFFE0];
	v15 =	vand.u32 $0x3FFF, v9;
	v17 =	vand.u32 $0x3FFF, v10;
	v19 =	vand.u32 $0x3FFF, v11  }
0x67: {  	v57 =	vld [tilespmem:s23+$0xFFFFFFF0];
	v20 =	vand.u32 $0x3FFF, v12;
	v21 =	vand.u32 $0x3FFF, v14;
	v22 =	vshrl.u32 v8, $0xE  }
0x68: {  	v58 =	vld [tilespmem:s23+$0x0];
	v8 =	vshra.s32 v8, $0xE;
	v24 =	vand.u32 $0x3FFF, v16;
	v52 =	vand.u32 $0x3FFF, v18  }
0x69: {  	v53 =	vshrl.u32 v9, $0xE;
	v9 =	vshra.s32 v9, $0xE;
	v25 =	vshrl.u32 v10, $0xE;
	v13 =	vld.idx.msk [tilespmem:v13+s1+$0x0], $0xffff  }
0x6a: {  	v59 =	vld [tilespmem:s23+$0x10];
	v10 =	vshra.s32 v10, $0xE;
	v22 =	vand.u32 $0x7F, v22;
	v8 =	vand.u32 $0xFFFFFF80, v8  }
0x6b: {  	v60 =	vld [tilespmem:s23+$0x20];
	v26 =	vshrl.u32 v11, $0xE;
	v27 =	vshrl.u32 v16, $0xE;
	v8 =	vor.u32 v22, v8  }
0x6c: {  	v55 =	vshrl.u32 v14, $0xE;
	v16 =	vshra.s32 v16, $0xE;
	v27 =	vand.u32 $0x7F, v27;
	v15 =	vld.idx.msk [tilespmem:v15+s1+$0x0], $0xffff  }
0x6d: {  	v16 =	vand.u32 $0xFFFFFF80, v16;
	v9 =	vand.u32 $0xFFFFFF80, v9;
	v25 =	vand.u32 $0x7F, v25;
	v24 =	vld.idx.msk [tilespmem:v24+s1+$0x0], $0xffff  }
0x6e: {  	v10 =	vand.u32 $0xFFFFFF80, v10;
	v26 =	vand.u32 $0x7F, v26;
	v17 =	vld.idx.msk [tilespmem:v17+s1+$0x0], $0xffff;
	v13 =	vmul.f32 v23, v13  }
0x6f: {  	v16 =	vor.u32 v27, v16;
	v10 =	vor.u32 v25, v10;
	v19 =	vld.idx.msk [tilespmem:v19+s1+$0x0], $0xffff;
	v23 =	vand.u32 $0x7F, v53  }
0x70: {  	v9 =	vor.u32 v23, v9;
	[tilespmem:v8+s2+$0x0] =	vst.idx.add.f32.msk $0xffff, v13;
	v8 =	vshra.s32 v11, $0xE;
	v11 =	vshrl.u32 v12, $0xE  }
0x71: {  	v20 =	vld.idx.msk [tilespmem:v20+s1+$0x0], $0xffff;
	v12 =	vshra.s32 v12, $0xE;
	v8 =	vand.u32 $0xFFFFFF80, v8;
	v11 =	vand.u32 $0x7F, v11  }
0x72: {  	v21 =	vld.idx.msk [tilespmem:v21+s1+$0x0], $0xffff;
	v12 =	vand.u32 $0xFFFFFF80, v12;
	v26 =	vor.u32 v26, v8;
	v8 =	vmul.f32 v28, v24  }
0x73: {  	v14 =	vshra.s32 v14, $0xE;
	v54 =	vld.idx.msk [tilespmem:v52+s1+$0x0], $0xffff;
	v12 =	vor.u32 v11, v12;
	v11 =	vmul.f32 v29, v15  }
0x74: {  	v61 =	vshrl.u32 v18, $0xE;
	v18 =	vshra.s32 v18, $0xE;
	[tilespmem:v16+s2+$0x0] =	vst.idx.add.f32.msk $0xffff, v8;
	v8 =	vmul.f32 v56, v17  }
0x75: {  	v62 =	vand.u32 $0x7F, v55;
	v14 =	vand.u32 $0xFFFFFF80, v14;
	[tilespmem:v9+s2+$0x0] =	vst.idx.add.f32.msk $0xffff, v11;
	v11 =	vmul.f32 v57, v19  }
0x76: {  	v63 =	vand.u32 $0x7F, v61;
	v18 =	vand.u32 $0xFFFFFF80, v18;
	[tilespmem:v10+s2+$0x0] =	vst.idx.add.f32.msk $0xffff, v8;
	v10 =	vmul.f32 v58, v20  }
0x77: {  	v9 =	vor.u32 v62, v14;
	v8 =	vor.u32 v63, v18;
	[tilespmem:v26+s2+$0x0] =	vst.idx.add.f32.msk $0xffff, v11  }
0x78: {  	s4 =	simm.s32 $0x0;
	s7 =	simm.s32 $0xC0;
	v11 =	vmul.f32 v59, v21;
	[tilespmem:v12+s2+$0x0] =	vst.idx.add.f32.msk $0xffff, v10;
	v10 =	vmul.f32 v60, v54  }
.LBB2_9:
0x79: {  	v12 =	vld [tilespmem:s7+$0x30];
	s4 =	sadd.s32 $0x8, s4  }
0x7a: {  	v13 =	vld [tilespmem:s7+$0xFFFFFFD0];
	p1 =	slt.u32 s4, $0x4D8  }
0x7b: {  	v14 =	vld [tilespmem:s7+$0xFFFFFFE0]  }
0x7c: {  	v15 =	vld [tilespmem:s7+$0xFFFFFFF0]  }
0x7d: {  	v16 =	vld [tilespmem:s7+$0x0]  }
0x7e: {  	v17 =	vld [tilespmem:s7+$0x10];
	v18 =	vand.u32 $0x3FFF, v12  }
0x7f: {  	v19 =	vshrl.u32 v13, $0xE;
	v20 =	vand.u32 $0x3FFF, v13;
	v13 =	vshra.s32 v13, $0xE;
	v21 =	vld [tilespmem:s7+$0x20]  }
0x80: {  	v22 =	vld [tilespmem:s7+$0xFFFFFFC0];
	v23 =	vshrl.u32 v14, $0xE;
	v24 =	vand.u32 $0x3FFF, v14;
	v14 =	vshra.s32 v14, $0xE  }
0x81: {  	v25 =	vshrl.u32 v15, $0xE;
	v26 =	vand.u32 $0x3FFF, v15;
	v15 =	vshra.s32 v15, $0xE;
	[tilespmem:v9+s2+$0x0] =	vst.idx.add.f32.msk $0xffff, v11  }
0x82: {  	v9 =	vshrl.u32 v16, $0xE;
	v11 =	vand.u32 $0x3FFF, v16;
	v16 =	vshra.s32 v16, $0xE;
	[tilespmem:v8+s2+$0x0] =	vst.idx.add.f32.msk $0xffff, v10  }
0x83: {  	s23 =	sadd.s32 $0x80, s23;
	v8 =	vshrl.u32 v17, $0xE;
	v10 =	vand.u32 $0x3FFF, v17;
	v17 =	vshra.s32 v17, $0xE;
	v18 =	vld.idx.msk [tilespmem:v18+s1+$0x0], $0xffff  }
0x84: {  	v28 =	vshrl.u32 v12, $0xE;
	v12 =	vshra.s32 v12, $0xE;
	v27 =	vand.u32 $0x3FFF, v21;
	v29 =	vld [tilespmem:s23+$0x30]  }
0x85: {  	v28 =	vand.u32 $0x7F, v28;
	v12 =	vand.u32 $0xFFFFFF80, v12;
	v30 =	vand.u32 $0x3FFF, v22;
	v20 =	vld.idx.msk [tilespmem:v20+s1+$0x0], $0xffff  }
0x86: {  	v12 =	vor.u32 v28, v12;
	v31 =	vshrl.u32 v22, $0xE;
	v22 =	vshra.s32 v22, $0xE;
	v24 =	vld.idx.msk [tilespmem:v24+s1+$0x0], $0xffff  }
0x87: {  	v28 =	vand.u32 $0x7F, v31;
	v31 =	vshrl.u32 v21, $0xE;
	v21 =	vshra.s32 v21, $0xE;
	v26 =	vld.idx.msk [tilespmem:v26+s1+$0x0], $0xffff  }
0x88: {  	v19 =	vand.u32 $0x7F, v19;
	v13 =	vand.u32 $0xFFFFFF80, v13;
	v22 =	vand.u32 $0xFFFFFF80, v22;
	v11 =	vld.idx.msk [tilespmem:v11+s1+$0x0], $0xffff  }
0x89: {  	v23 =	vand.u32 $0x7F, v23;
	v14 =	vand.u32 $0xFFFFFF80, v14;
	v10 =	vld.idx.msk [tilespmem:v10+s1+$0x0], $0xffff;
	v18 =	vmul.f32 v29, v18  }
0x8a: {  	v25 =	vand.u32 $0x7F, v25;
	v15 =	vand.u32 $0xFFFFFF80, v15;
	v9 =	vand.u32 $0x7F, v9;
	v29 =	vld.idx.msk [tilespmem:v30+s1+$0x0], $0xffff  }
0x8b: {  	s3 =	simm.s32 $0x0;
	v16 =	vand.u32 $0xFFFFFF80, v16;
	v8 =	vand.u32 $0x7F, v8;
	v17 =	vand.u32 $0xFFFFFF80, v17;
	[tilespmem:v12+s2+$0x0] =	vst.idx.add.f32.msk $0xffff, v18  }
0x8c: {  	v21 =	vand.u32 $0xFFFFFF80, v21;
	v12 =	vor.u32 v28, v22;
	v22 =	vand.u32 $0x7F, v31;
	v18 =	vld.idx.msk [tilespmem:v27+s1+$0x0], $0xffff  }
0x8d: {  	v13 =	vor.u32 v19, v13;
	v14 =	vor.u32 v23, v14;
	v15 =	vor.u32 v25, v15;
	v27 =	vld [tilespmem:s23+$0xFFFFFFC0]  }
0x8e: {  	v16 =	vor.u32 v9, v16;
	v9 =	vor.u32 v8, v17;
	v8 =	vor.u32 v22, v21;
	v19 =	vld [tilespmem:s23+$0xFFFFFFD0]  }
0x8f: {  	v17 =	vld [tilespmem:s23+$0xFFFFFFE0]  }
0x90: {  	v21 =	vld [tilespmem:s23+$0xFFFFFFF0]  }
0x91: {  	v22 =	vld [tilespmem:s23+$0x0]  }
0x92: {  	v23 =	vmul.f32 v27, v29;
	v25 =	vld [tilespmem:s23+$0x10]  }
0x93: {  	v19 =	vmul.f32 v19, v20;
	v20 =	vld [tilespmem:s23+$0x20]  }
.Ltmp3:
0x94: {  	[tilespmem:v12+s2+$0x0] =	vst.idx.add.f32.msk $0xffff, v23;
	v12 =	vmul.f32 v17, v24;
	(pc) =	sbr.rel @p1 .LBB2_9-.Ltmp3, $4  }
0x95: {  	[tilespmem:v13+s2+$0x0] =	vst.idx.add.f32.msk $0xffff, v19;
	v13 =	vmul.f32 v21, v26  }
0x96: {  	[tilespmem:v14+s2+$0x0] =	vst.idx.add.f32.msk $0xffff, v12;
	v12 =	vmul.f32 v22, v11  }
0x97: {  	[tilespmem:v15+s2+$0x0] =	vst.idx.add.f32.msk $0xffff, v13;
	v11 =	vmul.f32 v25, v10  }
0x98: {  	s7 =	sadd.s32 $0x80, s7;
	[tilespmem:v16+s2+$0x0] =	vst.idx.add.f32.msk $0xffff, v12;
	v10 =	vmul.f32 v20, v18  }
0x99: {  	_ =	sdelay $0x3  }
0x9a: {  	[tilespmem:v9+s2+$0x0] =	vst.idx.add.f32.msk $0xffff, v11  }
0x9b: {  	[tilespmem:v8+s2+$0x0] =	vst.idx.add.f32.msk $0xffff, v10  }
.LBB2_11:
0x9c: {  	s0 =	sshra.s32 s3, $0x2  }
0x9d: {  	v8 =	vld [tilespmem:s0+$0x4E00];
	_ =	sdelay $0x4  }
0x9e: {  	v9 =	vand.u32 $0x3FFF, v8;
	_ =	sdelay $0x3  }
0x9f: {  	v11 =	vld [tilespmem:s0+$0x9C80]  }
0xa0: {  	v10 =	vshrl.u32 v8, $0xE;
	v8 =	vshra.s32 v8, $0xE;
	v9 =	vld.idx.msk [tilespmem:v9+s1+$0x0], $0xffff  }
0xa1: {  	v10 =	vand.u32 $0x7F, v10;
	v8 =	vand.u32 $0xFFFFFF80, v8  }
0xa2: {  	p1 =	sne.s32 s3, $0x40;
	v8 =	vor.u32 v10, v8  }
.Ltmp4:
0xa3: {  	_ = 	snop;
	(pc) =	sbr.rel @p1 .LBB2_11-.Ltmp4, $3  }
0xa4: {  	_ = 	snop  }
0xa5: {  	v9 =	vmul.f32 v11, v9;
	_ =	sdelay $0x1  }
0xa6: {  	s3 =	sadd.s32 $0x40, s3;
	[tilespmem:v8+s2+$0x0] =	vst.idx.add.f32.msk $0xffff, v9  }
0xa7: {  	s0 =	rddreg [dreg:$0x8];
	s3 =	simm.s32 $0x50;
	s4 =	simm.s32 $0xFB80  }
0xa8: {  	[spmem:s0] =	stream.indirect.scatter.add.f32 [tilespmem:s2], [sflag:$0x4], $0x80, s4, s3, $0xb8;
	[tilespmem:$0x10880] =	vst v63  }
0xa9: {  	_ =	swait.ge [sflag:s26], $0x2800  }
0xaa: {  	[sflag:s26] =	ssyncset.done $0x0  }
0xab: {  	[sflag:s26] =	ssyncadd.s32 $0xFFFFD800  }
0xac: {  	[bflag:$0x0] =	sbarrier.arrive $0xFFFF  }
0xad: {  	[tilespmem:s31], [sflag:$0x4] =	stream.linear.gather [spmem:s13], $0x280, $0x38;
	[tilespmem:$0x10880] =	vst v63  }
0xae: {  	s5 =	sshll.u32 s20, $0xF;
	_ =	swait.ge [sflag:s26], $0x280  }
0xaf: {  	s0 =	sand.u32 $0x8000, s5;
	s6 =	rddreg [dreg:$0xe]  }
0xb0: {  	s3 =	sor.u32 s6, s0  }
0xb1: {  	[sflag:s26] =	ssyncset.done $0x0;
	s3 =	sshrl.u32 s3, $0x3  }
0xb2: {  	s23 =	simm.s32 $0x0;
	[sflag:s26] =	ssyncadd.s32 $0xFFFFFD80;
	s3 =	sadd.s32 s9, s3  }
0xb3: {  	[hbm4b:s3+s23] =	stream.linear.scatter [tilespmem:s31], [sflag:$0x4], $0x280, $0x38;
	[tilespmem:$0x10880] =	vst v63  }
0xb4: {  	_ =	swait.ge [sflag:s26], $0x280  }
0xb5: {  	[sflag:s26] =	ssyncset.done $0x0  }
0xb6: {  	s7 =	simm.s32 $0x100000;
	[sflag:s26] =	ssyncadd.s32 $0xFFFFFD80  }
0xb7: {  	[smem:s7], [sflag:$0x0] =	smem.add.s32 $0x0  }
0xb8: {  	_ =	swait.done [sflag:s23]  }
0xb9: {  	s11 =	ssyncread [sflag:$0x0];
	_ =	sdelay $0x1  }
0xba: {  	s15 =	stileid.u32;
	s14 =	rddreg [dreg:$0xf]  }
0xbb: {  	s4 =	sshll.u32 s15, $0x6;
	s3 =	sadd.s32 s14, s11  }
0xbc: {  	s4 =	sor.u32 s24, s4;
	s3 =	sshll.u32 s3, $0x11  }
0xbd: {  	[sflag:s23] =	ssyncset.s32 $0x0;
	s3 =	sor.u32 s3, s4  }
0xbe: {  	[sflag:s23] =	ssyncset.done $0x0;
	s3 =	sor.u32 $0x1C01, s3  }
0xbf: {  	s19 =	simm.s32 $0xF780;
	[sflag:s3] =	ssyncadd.remote.s32 $0x1  }
0xc0: {  	[spmem:s13] =	stream.linear.scatter [tilespmem:s19], [sflag:$0x4], $0x280, $0x38;
	[tilespmem:$0x10880] =	vst v63  }
0xc1: {  	_ =	swait.ge [sflag:s26], $0x280  }
0xc2: {  	[sflag:s26] =	ssyncset.done $0x0  }
0xc3: {  	[sflag:s26] =	ssyncadd.s32 $0xFFFFFD80  }
0xc4: {  	s0 =	sor.u32 s16, s0;
	_ =	swait.ge [sflag:s10], $0x1  }
0xc5: {  	s0 =	sshrl.u32 s0, $0x3;
	[sflag:s10] =	ssyncset.done $0x0  }
0xc6: {  	s29 =	simm.s32 $0xF380;
	s0 =	sadd.s32 s9, s0;
	[sflag:s10] =	ssyncadd.s32 $0xFFFFFFFF  }
0xc7: {  	[tilespmem:s29], [sflag:$0x4] =	stream.linear.gather [hbm4b:s0+s23], $0x280, $0x38;
	[tilespmem:$0x10880] =	vst v63  }
0xc8: {  	_ =	swait.ge [sflag:s26], $0x280  }
0xc9: {  	[sflag:s26] =	ssyncset.done $0x0  }
0xca: {  	s3 =	simm.s32 $0xEFA0;
	[sflag:s26] =	ssyncadd.s32 $0xFFFFFD80  }
0xcb: {  	s4 =	simm.s32 $0xF3A0;
	v8 =	vld [tilespmem:s3+$0x10]  }
0xcc: {  	v9 =	vld [tilespmem:s4+$0x10]  }
0xcd: {  	s5 =	simm.s32 $0xED20  }
0xce: {  	v10 =	vld [tilespmem:s5+$0x10];
	_ =	sdelay $0x1  }
0xcf: {  	v11 =	vld [tilespmem:s3+$0xFFFFFFE0]  }
0xd0: {  	v12 =	vld [tilespmem:s4+$0xFFFFFFE0];
	v8 =	vadd.f32 v9, v8  }
0xd1: {  	v13 =	vld [tilespmem:s4+$0xFFFFFFF0]  }
0xd2: {  	v9 =	vld [tilespmem:s3+$0xFFFFFFF0];
	v8 =	vadd.f32 v10, v8  }
0xd3: {  	v14 =	vld [tilespmem:s4+$0x0]  }
0xd4: {  	v16 =	vld [tilespmem:s5+$0xFFFFFFE0];
	v15 =	vmul.f32 $9.999999770e-03, v8  }
0xd5: {  	v17 =	vld [tilespmem:s5+$0xFFFFFFF0];
	vm0 =	vlt.f32 v8, $0.0e+00  }
0xd6: {  	s6 =	simm.s32 $0xEFE0;
	v10 =	vld [tilespmem:s3+$0x0];
	v19 =	vsel vm0, v15, v8  }
0xd7: {  	v9 =	vadd.f32 v13, v9;
	v13 =	vld [tilespmem:s6+$0x10];
	vm2 =	vgt.f32 v19, $5.000000000e-01  }
0xd8: {  	s7 =	simm.s32 $0xF3E0;
	v11 =	vadd.f32 v12, v11;
	v8 =	vld [tilespmem:s5+$0x0];
	v12 =	vnsel vm2, $0x3F800000, v19  }
0xd9: {  	(erf) = vrcp.f32 v12;
	v12 =	vld [tilespmem:s7+$0x10]  }
0xda: {  	s19 =	simm.s32 $0xED60;
	v11 =	vadd.f32 v16, v11  }
0xdb: {  	v16 =	vld [tilespmem:s19+$0x10];
	v10 =	vadd.f32 v14, v10;
	v14 =	vadd.f32 v17, v9  }
0xdc: {  	vm0 =	vlt.f32 v11, $0.0e+00;
	v9 =	vmul.f32 $9.999999770e-03, v11  }
0xdd: {  	v18 =	vld [tilespmem:s6+$0xFFFFFFF0];
	vm3 =	vmmov vm2;
	v10 =	vadd.f32 v8, v10;
	v8 =	vmul.f32 $9.999999770e-03, v14  }
0xde: {  	v20 =	vld [tilespmem:s6+$0x0];
	vm1 =	vlt.f32 v14, $0.0e+00;
	v9 =	vsel vm0, v9, v11;
	v11 =	vadd.f32 v12, v13  }
0xdf: {  	v22 =	vld [tilespmem:s7+$0x0];
	vm0 =	vgt.f32 v9, $5.000000000e-01;
	v8 =	vsel vm1, v8, v14;
	v12 =	vmul.f32 $9.999999770e-03, v10  }
0xe0: {  	v15 =	vld [tilespmem:s6+$0xFFFFFFE0];
	vm4 =	vlt.f32 v10, $0.0e+00;
	vm1 =	vgt.f32 v8, $5.000000000e-01;
	v11 =	vadd.f32 v16, v11  }
0xe1: {  	v17 =	vld [tilespmem:s7+$0xFFFFFFE0];
	v13 =	vnsel vm0, $0x3F800000, v9;
	v21 =	vnsel vm1, $0x3F800000, v8;
	v10 =	vsel vm4, v12, v10  }
0xe2: {  	v14 =	vld [tilespmem:s7+$0xFFFFFFF0];
	(erf) = vrcp.f32 v13;
	vm2 =	vgt.f32 v10, $5.000000000e-01;
	v13 =	vmul.f32 $9.999999770e-03, v11  }
0xe3: {  	v63 =	vld [tilespmem:s19+$0xFFFFFFE0];
	(erf) = vrcp.f32 v21;
	v12 =	vpop (erf);
	v16 =	vnsel vm2, $0x3F800000, v10;
	vm4 =	vlt.f32 v11, $0.0e+00  }
0xe4: {  	s14 =	simm.s32 $0x10;
	v12 =	vmul.f32 $2.500000000e-01, v12;
	(erf) = vrcp.f32 v16;
	v11 =	vsel vm4, v13, v11;
	v13 =	vld [tilespmem:s19+$0xFFFFFFF0]  }
0xe5: {  	s15 =	simm.s32 $0x30;
	s11 =	sadd.s32 $0x0, s8;
	s30 =	sand.u32 $0x50, s14  }
0xe6: {  	s0 =	sand.u32 $0x7F80, s11;
	s29 =	sand.u32 $0x70, s15;
	s4 =	simm.s32 $0x4;
	v15 =	vadd.f32 v17, v15;
	v23 =	vsub.f32 $1.000000000e+00, v12;
	v12 =	vld [tilespmem:s19+$0x0]  }
0xe7: {  	s3 =	sand.u32 $0x40, s23;
	s6 =	simm.s32 $0x20;
	s5 =	sadd.s32 $0x9D00, s0;
	v17 =	vadd.f32 v22, v20;
	v16 =	vadd.f32 v14, v18;
	vm6 =	vgt.f32 v11, $5.000000000e-01  }
0xe8: {  	s28 =	sand.u32 $0x60, s6;
	s6 =	simm.s32 $0xF020;
	s0 =	sor.u32 s29, s5;
	v15 =	vadd.f32 v63, v15;
	v18 =	vnsel vm6, $0x3F800000, v11;
	v14 =	vsel vm3, v23, v19  }
.LBB2_13:
0xe9: {  	v13 =	vadd.f32 v13, v16;
	(erf) = vrcp.f32 v18;
	vm7 =	vmmov vm0  }
0xea: {  	v19 =	vld [tilespmem:s6+$0x10];
	s7 =	sadd.s32 $0x40, s7;
	s29 =	sor.u32 s3, s5;
	s3 =	sor.u32 s30, s5;
	[tilespmem:s0+$0x0] =	vst v14;
	vm5 =	vmmov vm1;
	vm4 =	vmmov vm2;
	vm3 =	vmmov vm6  }
0xeb: {  	s4 =	sadd.s32 $0x4, s4;
	s11 =	sor.u32 s28, s5;
	v14 =	vld [tilespmem:s7+$0x10];
	vm0 =	vlt.f32 v15, $0.0e+00;
	v16 =	vmul.f32 $9.999999770e-03, v15;
	v12 =	vadd.f32 v12, v17;
	v17 =	vpop (erf)  }
0xec: {  	s19 =	sadd.s32 $0x40, s19;
	p1 =	slt.u32 s4, $0x10;
	v18 =	vld [tilespmem:s6+$0xFFFFFFE0];
	vm1 =	vlt.f32 v13, $0.0e+00;
	v20 =	vmul.f32 $9.999999770e-03, v13;
	v17 =	vmul.f32 $2.500000000e-01, v17;
	v21 =	vpop (erf)  }
0xed: {  	v22 =	vld [tilespmem:s19+$0x10];
	v15 =	vsel vm0, v16, v15;
	vm2 =	vlt.f32 v12, $0.0e+00;
	v16 =	vmul.f32 $9.999999770e-03, v12;
	v23 =	vpop (erf)  }
0xee: {  	v24 =	vld [tilespmem:s7+$0xFFFFFFE0];
	vm0 =	vgt.f32 v15, $5.000000000e-01;
	v20 =	vsel vm1, v20, v13;
	v13 =	vmul.f32 $2.500000000e-01, v21  }
0xef: {  	v21 =	vld [tilespmem:s6+$0xFFFFFFF0];
	v25 =	vnsel vm0, $0x3F800000, v15;
	vm1 =	vgt.f32 v20, $5.000000000e-01;
	v26 =	vsel vm2, v16, v12  }
0xf0: {  	v12 =	vld [tilespmem:s7+$0xFFFFFFF0];
	v14 =	vadd.f32 v14, v19;
	v16 =	vnsel vm1, $0x3F800000, v20;
	vm2 =	vgt.f32 v26, $5.000000000e-01  }
0xf1: {  	v23 =	vmul.f32 $2.500000000e-01, v23;
	v19 =	vld [tilespmem:s6+$0x0];
	v27 =	vnsel vm2, $0x3F800000, v26;
	(erf) = vrcp.f32 v25  }
0xf2: {  	v17 =	vsub.f32 $1.000000000e+00, v17;
	v25 =	vld [tilespmem:s7+$0x0];
	v14 =	vadd.f32 v22, v14;
	(erf) = vrcp.f32 v16  }
0xf3: {  	v18 =	vadd.f32 v24, v18;
	v22 =	vld [tilespmem:s19+$0xFFFFFFE0];
	(erf) = vrcp.f32 v27;
	v16 =	vpop (erf);
	v24 =	vsub.f32 $1.000000000e+00, v13  }
.Ltmp5:
0xf4: {  	s23 =	sadd.s32 $0x40, s23;
	v23 =	vsub.f32 $1.000000000e+00, v23;
	v13 =	vld [tilespmem:s19+$0xFFFFFFF0];
	v27 =	vmul.f32 $9.999999770e-03, v14;
	v28 =	vmul.f32 $2.500000000e-01, v16;
	(pc) =	sbr.rel @p1 .LBB2_13-.Ltmp5, $4  }
0xf5: {  	s0 =	sadd.s32 s23, s8;
	s5 =	sadd.s32 $0x10, s23;
	s28 =	sadd.s32 $0x20, s23;
	v17 =	vsel vm7, v17, v9;
	v9 =	vmovc v15;
	vm6 =	vlt.f32 v14, $0.0e+00;
	v16 =	vadd.f32 v12, v21;
	v12 =	vld [tilespmem:s19+$0x0]  }
0xf6: {  	s14 =	sadd.s32 $0x30, s23;
	s0 =	sand.u32 $0x7F80, s0;
	s30 =	sand.u32 $0x50, s5;
	v15 =	vsel vm5, v24, v8;
	v8 =	vmovc v20;
	v21 =	vsel vm6, v27, v14;
	v14 =	vsub.f32 $1.000000000e+00, v28;
	[tilespmem:s29+$0x0] =	vst v17  }
0xf7: {  	s28 =	sand.u32 $0x60, s28;
	s5 =	sadd.s32 $0x9D00, s0;
	s0 =	sand.u32 $0x70, s14;
	v17 =	vadd.f32 v25, v19;
	vm6 =	vgt.f32 v21, $5.000000000e-01;
	[tilespmem:s3+$0x0] =	vst v15;
	v19 =	vsel vm4, v23, v10;
	v10 =	vmovc v26  }
0xf8: {  	s0 =	sor.u32 s0, s5;
	s6 =	sadd.s32 $0x40, s6;
	s3 =	sand.u32 $0x40, s23;
	v15 =	vadd.f32 v22, v18;
	v18 =	vnsel vm6, $0x3F800000, v21;
	v14 =	vsel vm3, v14, v11;
	[tilespmem:s11+$0x0] =	vst v19;
	v11 =	vmovc v21  }
0xf9: {  	v13 =	vadd.f32 v13, v16  }
0xfa: {  	v16 =	vmul.f32 $9.999999770e-03, v15;
	v12 =	vadd.f32 v12, v17  }
0xfb: {  	(erf) = vrcp.f32 v18;
	vm3 =	vlt.f32 v15, $0.0e+00;
	v17 =	vmul.f32 $9.999999770e-03, v13  }
0xfc: {  	vm4 =	vlt.f32 v13, $0.0e+00;
	v15 =	vsel vm3, v16, v15;
	v16 =	vmul.f32 $9.999999770e-03, v12  }
0xfd: {  	vm3 =	vlt.f32 v12, $0.0e+00;
	vm5 =	vgt.f32 v15, $5.000000000e-01;
	v13 =	vsel vm4, v17, v13  }
0xfe: {  	v17 =	vnsel vm5, $0x3F800000, v15;
	vm4 =	vgt.f32 v13, $5.000000000e-01;
	v12 =	vsel vm3, v16, v12  }
0xff: {  	v16 =	vnsel vm4, $0x3F800000, v13;
	vm3 =	vgt.f32 v12, $5.000000000e-01;
	(erf) = vrcp.f32 v17  }
0x100: {  	v17 =	vnsel vm3, $0x3F800000, v12;
	(erf) = vrcp.f32 v16  }
0x101: {  	(erf) = vrcp.f32 v17  }
0x102: {  	v16 =	vpop (erf)  }
0x103: {  	v17 =	vpop (erf);
	v16 =	vmul.f32 $2.500000000e-01, v16  }
0x104: {  	v18 =	vpop (erf)  }
0x105: {  	v18 =	vmul.f32 $2.500000000e-01, v18;
	v16 =	vsub.f32 $1.000000000e+00, v16  }
0x106: {  	vm0 =	vmmov vm0;
	v17 =	vmul.f32 $2.500000000e-01, v17  }
0x107: {  	vm1 =	vmmov vm1;
	v19 =	vpop (erf);
	v9 =	vsel vm0, v16, v9  }
0x108: {  	vm2 =	vmmov vm2;
	s4 =	sadd.s32 $0x40, s23;
	v17 =	vsub.f32 $1.000000000e+00, v17;
	v19 =	vmul.f32 $2.500000000e-01, v19;
	v20 =	vpop (erf)  }
0x109: {  	vm6 =	vmmov vm6;
	s3 =	sor.u32 s3, s5;
	[tilespmem:s0+$0x0] =	vst v14;
	s14 =	sadd.s32 s4, s8;
	v14 =	vsub.f32 $1.000000000e+00, v18;
	v16 =	vmul.f32 $2.500000000e-01, v20;
	v18 =	vpop (erf)  }
0x10a: {  	s6 =	sor.u32 s30, s5;
	s7 =	sadd.s32 $0x30, s4;
	s0 =	sand.u32 $0x7F80, s14;
	v19 =	vsub.f32 $1.000000000e+00, v19;
	[tilespmem:s3+$0x0] =	vst v9;
	v8 =	vsel vm1, v17, v8;
	v9 =	vpop (erf);
	v17 =	vmul.f32 $2.500000000e-01, v18  }
0x10b: {  	s15 =	sor.u32 s28, s5;
	s19 =	sand.u32 $0x70, s7;
	s0 =	sadd.s32 $0x9D00, s0;
	[tilespmem:s6+$0x0] =	vst v8;
	v8 =	vsel vm2, v14, v10;
	v9 =	vmul.f32 $2.500000000e-01, v9;
	v10 =	vsub.f32 $1.000000000e+00, v16  }
0x10c: {  	s23 =	sadd.s32 $0x10, s4;
	s29 =	sand.u32 $0x40, s4;
	s5 =	sor.u32 s19, s0;
	vm0 =	vmmov vm5;
	v11 =	vsel vm6, v19, v11;
	[tilespmem:s15+$0x0] =	vst v8;
	v8 =	vsub.f32 $1.000000000e+00, v17  }
0x10d: {  	s11 =	sadd.s32 $0x20, s4;
	s14 =	sand.u32 $0x50, s23;
	vm1 =	vmmov vm4;
	s15 =	sor.u32 s29, s0;
	[tilespmem:s5+$0x0] =	vst v11;
	v9 =	vsub.f32 $1.000000000e+00, v9;
	v10 =	vsel vm0, v10, v15  }
0x10e: {  	s4 =	sor.u32 s14, s0;
	s3 =	sand.u32 $0x60, s11;
	vm0 =	vmmov vm3;
	[tilespmem:s15+$0x0] =	vst v10;
	v8 =	vsel vm1, v8, v13  }
0x10f: {  	s0 =	sor.u32 s3, s0;
	[tilespmem:s4+$0x0] =	vst v8;
	v8 =	vsel vm0, v9, v12  }
0x110: {  	s19 =	simm.s32 $0xF0F0;
	[tilespmem:s0+$0x0] =	vst v8  }
0x111: {  	[spmem:s17] =	stream.linear.scatter [tilespmem:s21], [sflag:$0x3], $0x140, $0x38;
	[tilespmem:$0x10880] =	vst v63  }
0x112: {  	s23 =	simm.s32 $0xF4F0;
	v8 =	vld [tilespmem:s19+$0x0]  }
0x113: {  	v9 =	vld [tilespmem:s23+$0x0]  }
0x114: {  	s29 =	simm.s32 $0xEE70  }
0x115: {  	v10 =	vld [tilespmem:s29+$0x0];
	_ =	sdelay $0x1  }
0x116: {  	v11 =	vld [tilespmem:s19+$0xFFFFFFD0]  }
0x117: {  	v12 =	vld [tilespmem:s23+$0xFFFFFFD0];
	v8 =	vadd.f32 v9, v8  }
0x118: {  	v13 =	vld [tilespmem:s23+$0xFFFFFFE0]  }
0x119: {  	v9 =	vld [tilespmem:s19+$0xFFFFFFE0];
	v8 =	vadd.f32 v10, v8  }
0x11a: {  	v14 =	vld [tilespmem:s23+$0xFFFFFFF0]  }
0x11b: {  	v16 =	vld [tilespmem:s29+$0xFFFFFFD0];
	v15 =	vmul.f32 $9.999999770e-03, v8  }
0x11c: {  	v17 =	vld [tilespmem:s29+$0xFFFFFFE0];
	vm0 =	vlt.f32 v8, $0.0e+00  }
0x11d: {  	s5 =	simm.s32 $0xF130;
	v10 =	vld [tilespmem:s19+$0xFFFFFFF0];
	v19 =	vsel vm0, v15, v8  }
0x11e: {  	v9 =	vadd.f32 v13, v9;
	v13 =	vld [tilespmem:s5+$0x0];
	vm2 =	vgt.f32 v19, $5.000000000e-01  }
0x11f: {  	s7 =	simm.s32 $0xF530;
	v11 =	vadd.f32 v12, v11;
	v8 =	vld [tilespmem:s29+$0xFFFFFFF0];
	v12 =	vnsel vm2, $0x3F800000, v19  }
0x120: {  	(erf) = vrcp.f32 v12;
	v12 =	vld [tilespmem:s7+$0x0]  }
0x121: {  	v11 =	vadd.f32 v16, v11;
	s19 =	simm.s32 $0xEEB0  }
0x122: {  	v16 =	vld [tilespmem:s19+$0x0];
	v10 =	vadd.f32 v14, v10;
	v14 =	vadd.f32 v17, v9  }
0x123: {  	vm0 =	vlt.f32 v11, $0.0e+00;
	v9 =	vmul.f32 $9.999999770e-03, v11  }
0x124: {  	v18 =	vld [tilespmem:s5+$0xFFFFFFE0];
	vm3 =	vmmov vm2;
	v10 =	vadd.f32 v8, v10;
	v8 =	vmul.f32 $9.999999770e-03, v14  }
0x125: {  	v20 =	vld [tilespmem:s5+$0xFFFFFFF0];
	vm1 =	vlt.f32 v14, $0.0e+00;
	v9 =	vsel vm0, v9, v11;
	v11 =	vadd.f32 v12, v13  }
0x126: {  	v22 =	vld [tilespmem:s7+$0xFFFFFFF0];
	vm0 =	vgt.f32 v9, $5.000000000e-01;
	v8 =	vsel vm1, v8, v14;
	v12 =	vmul.f32 $9.999999770e-03, v10  }
0x127: {  	v15 =	vld [tilespmem:s5+$0xFFFFFFD0];
	vm4 =	vlt.f32 v10, $0.0e+00;
	vm1 =	vgt.f32 v8, $5.000000000e-01;
	v11 =	vadd.f32 v16, v11  }
0x128: {  	v17 =	vld [tilespmem:s7+$0xFFFFFFD0];
	v13 =	vnsel vm0, $0x3F800000, v9;
	v21 =	vnsel vm1, $0x3F800000, v8;
	v10 =	vsel vm4, v12, v10  }
0x129: {  	v14 =	vld [tilespmem:s7+$0xFFFFFFE0];
	(erf) = vrcp.f32 v13;
	vm2 =	vgt.f32 v10, $5.000000000e-01;
	v13 =	vmul.f32 $9.999999770e-03, v11  }
0x12a: {  	v63 =	vld [tilespmem:s19+$0xFFFFFFD0];
	(erf) = vrcp.f32 v21;
	v12 =	vpop (erf);
	v16 =	vnsel vm2, $0x3F800000, v10;
	vm4 =	vlt.f32 v11, $0.0e+00  }
0x12b: {  	s14 =	simm.s32 $0x160;
	s11 =	simm.s32 $0x150;
	v12 =	vmul.f32 $2.500000000e-01, v12;
	(erf) = vrcp.f32 v16;
	v11 =	vsel vm4, v13, v11;
	v13 =	vld [tilespmem:s19+$0xFFFFFFE0]  }
0x12c: {  	s28 =	sand.u32 $0x60, s14;
	s6 =	sadd.s32 $0x140, s8;
	s30 =	sand.u32 $0x50, s11  }
0x12d: {  	s15 =	simm.s32 $0x170;
	s4 =	simm.s32 $0x18;
	s0 =	sand.u32 $0x7F80, s6;
	v15 =	vadd.f32 v17, v15;
	v23 =	vsub.f32 $1.000000000e+00, v12;
	v12 =	vld [tilespmem:s19+$0xFFFFFFF0]  }
0x12e: {  	s23 =	simm.s32 $0x140;
	s5 =	sadd.s32 $0x9D00, s0;
	s29 =	sand.u32 $0x70, s15;
	v17 =	vadd.f32 v22, v20;
	v16 =	vadd.f32 v14, v18;
	vm6 =	vgt.f32 v11, $5.000000000e-01  }
0x12f: {  	s6 =	simm.s32 $0xF170;
	s3 =	sand.u32 $0x40, s23;
	s0 =	sor.u32 s29, s5;
	v15 =	vadd.f32 v63, v15;
	v18 =	vnsel vm6, $0x3F800000, v11;
	v14 =	vsel vm3, v23, v19  }
.LBB2_15:
0x130: {  	v13 =	vadd.f32 v13, v16;
	(erf) = vrcp.f32 v18;
	vm7 =	vmmov vm0  }
0x131: {  	v19 =	vld [tilespmem:s6+$0x0];
	s7 =	sadd.s32 $0x40, s7;
	s29 =	sor.u32 s3, s5;
	s3 =	sor.u32 s30, s5;
	[tilespmem:s0+$0x0] =	vst v14;
	vm5 =	vmmov vm1;
	vm4 =	vmmov vm2;
	vm3 =	vmmov vm6  }
0x132: {  	s4 =	sadd.s32 $0x4, s4;
	s11 =	sor.u32 s28, s5;
	v14 =	vld [tilespmem:s7+$0x0];
	vm0 =	vlt.f32 v15, $0.0e+00;
	v16 =	vmul.f32 $9.999999770e-03, v15;
	v12 =	vadd.f32 v12, v17;
	v17 =	vpop (erf)  }
0x133: {  	s19 =	sadd.s32 $0x40, s19;
	p1 =	slt.u32 s4, $0x24;
	v18 =	vld [tilespmem:s6+$0xFFFFFFD0];
	vm1 =	vlt.f32 v13, $0.0e+00;
	v20 =	vmul.f32 $9.999999770e-03, v13;
	v17 =	vmul.f32 $2.500000000e-01, v17;
	v21 =	vpop (erf)  }
0x134: {  	v22 =	vld [tilespmem:s19+$0x0];
	v15 =	vsel vm0, v16, v15;
	vm2 =	vlt.f32 v12, $0.0e+00;
	v16 =	vmul.f32 $9.999999770e-03, v12;
	v23 =	vpop (erf)  }
0x135: {  	v24 =	vld [tilespmem:s7+$0xFFFFFFD0];
	vm0 =	vgt.f32 v15, $5.000000000e-01;
	v20 =	vsel vm1, v20, v13;
	v13 =	vmul.f32 $2.500000000e-01, v21  }
0x136: {  	v21 =	vld [tilespmem:s6+$0xFFFFFFE0];
	v25 =	vnsel vm0, $0x3F800000, v15;
	vm1 =	vgt.f32 v20, $5.000000000e-01;
	v26 =	vsel vm2, v16, v12  }
0x137: {  	v12 =	vld [tilespmem:s7+$0xFFFFFFE0];
	v14 =	vadd.f32 v14, v19;
	v16 =	vnsel vm1, $0x3F800000, v20;
	vm2 =	vgt.f32 v26, $5.000000000e-01  }
0x138: {  	v23 =	vmul.f32 $2.500000000e-01, v23;
	v19 =	vld [tilespmem:s6+$0xFFFFFFF0];
	v27 =	vnsel vm2, $0x3F800000, v26;
	(erf) = vrcp.f32 v25  }
0x139: {  	v17 =	vsub.f32 $1.000000000e+00, v17;
	v25 =	vld [tilespmem:s7+$0xFFFFFFF0];
	v14 =	vadd.f32 v22, v14;
	(erf) = vrcp.f32 v16  }
0x13a: {  	v18 =	vadd.f32 v24, v18;
	v22 =	vld [tilespmem:s19+$0xFFFFFFD0];
	(erf) = vrcp.f32 v27;
	v16 =	vpop (erf);
	v24 =	vsub.f32 $1.000000000e+00, v13  }
.Ltmp6:
0x13b: {  	s23 =	sadd.s32 $0x40, s23;
	v23 =	vsub.f32 $1.000000000e+00, v23;
	v13 =	vld [tilespmem:s19+$0xFFFFFFE0];
	v27 =	vmul.f32 $9.999999770e-03, v14;
	v28 =	vmul.f32 $2.500000000e-01, v16;
	(pc) =	sbr.rel @p1 .LBB2_15-.Ltmp6, $4  }
0x13c: {  	s0 =	sadd.s32 s23, s8;
	s5 =	sadd.s32 $0x10, s23;
	s14 =	sadd.s32 $0x20, s23;
	v17 =	vsel vm7, v17, v9;
	v9 =	vmovc v15;
	vm6 =	vlt.f32 v14, $0.0e+00;
	v16 =	vadd.f32 v12, v21;
	v12 =	vld [tilespmem:s19+$0xFFFFFFF0]  }
0x13d: {  	s15 =	sadd.s32 $0x30, s23;
	s0 =	sand.u32 $0x7F80, s0;
	s30 =	sand.u32 $0x50, s5;
	v15 =	vsel vm5, v24, v8;
	v8 =	vmovc v20;
	v21 =	vsel vm6, v27, v14;
	v14 =	vsub.f32 $1.000000000e+00, v28;
	[tilespmem:s29+$0x0] =	vst v17  }
0x13e: {  	s28 =	sand.u32 $0x60, s14;
	s5 =	sadd.s32 $0x9D00, s0;
	s0 =	sand.u32 $0x70, s15;
	v17 =	vadd.f32 v25, v19;
	vm6 =	vgt.f32 v21, $5.000000000e-01;
	[tilespmem:s3+$0x0] =	vst v15;
	v19 =	vsel vm4, v23, v10;
	v10 =	vmovc v26  }
0x13f: {  	s0 =	sor.u32 s0, s5;
	s6 =	sadd.s32 $0x40, s6;
	s3 =	sand.u32 $0x40, s23;
	v15 =	vadd.f32 v22, v18;
	v18 =	vnsel vm6, $0x3F800000, v21;
	v14 =	vsel vm3, v14, v11;
	[tilespmem:s11+$0x0] =	vst v19;
	v11 =	vmovc v21  }
0x140: {  	v13 =	vadd.f32 v13, v16  }
0x141: {  	v49 =	vmul.f32 $9.999999770e-03, v15;
	v12 =	vadd.f32 v12, v17  }
0x142: {  	(erf) = vrcp.f32 v18;
	vm3 =	vlt.f32 v15, $0.0e+00;
	v50 =	vmul.f32 $9.999999770e-03, v13  }
0x143: {  	vm4 =	vlt.f32 v13, $0.0e+00;
	v15 =	vsel vm3, v49, v15;
	v51 =	vmul.f32 $9.999999770e-03, v12  }
0x144: {  	vm12 =	vlt.f32 v12, $0.0e+00;
	vm5 =	vgt.f32 v15, $5.000000000e-01;
	v13 =	vsel vm4, v50, v13  }
0x145: {  	v52 =	vnsel vm5, $0x3F800000, v15;
	vm4 =	vgt.f32 v13, $5.000000000e-01;
	v12 =	vsel vm12, v51, v12  }
0x146: {  	v53 =	vnsel vm4, $0x3F800000, v13;
	vm3 =	vgt.f32 v12, $5.000000000e-01;
	(erf) = vrcp.f32 v52  }
0x147: {  	v54 =	vnsel vm3, $0x3F800000, v12;
	(erf) = vrcp.f32 v53  }
0x148: {  	(erf) = vrcp.f32 v54;
	_ =	sdelay $0x2  }
0x149: {  	v55 =	vpop (erf)  }
0x14a: {  	v56 =	vpop (erf);
	v16 =	vmul.f32 $2.500000000e-01, v55  }
0x14b: {  	vm0 =	vmmov vm0;
	vm1 =	vmmov vm1;
	v57 =	vpop (erf);
	v17 =	vmul.f32 $2.500000000e-01, v56  }
0x14c: {  	vm2 =	vmmov vm2;
	v18 =	vmul.f32 $2.500000000e-01, v57;
	v16 =	vsub.f32 $1.000000000e+00, v16;
	v19 =	vpop (erf)  }
0x14d: {  	vm6 =	vmmov vm6;
	s4 =	sadd.s32 $0x40, s23;
	v17 =	vsub.f32 $1.000000000e+00, v17;
	v19 =	vmul.f32 $2.500000000e-01, v19;
	v20 =	vpop (erf)  }
0x14e: {  	s3 =	sor.u32 s3, s5;
	[tilespmem:s0+$0x0] =	vst v14;
	s7 =	sadd.s32 s4, s8;
	v58 =	vsub.f32 $1.000000000e+00, v18;
	v9 =	vsel vm0, v16, v9;
	v59 =	vmul.f32 $2.500000000e-01, v20;
	v60 =	vpop (erf)  }
0x14f: {  	s6 =	sor.u32 s30, s5;
	s0 =	sand.u32 $0x7F80, s7;
	s7 =	sadd.s32 $0x30, s4;
	[tilespmem:s3+$0x0] =	vst v9;
	v8 =	vsel vm1, v17, v8;
	v19 =	vsub.f32 $1.000000000e+00, v19;
	v61 =	vpop (erf);
	v62 =	vmul.f32 $2.500000000e-01, v60  }
0x150: {  	s11 =	sor.u32 s28, s5;
	s0 =	sadd.s32 $0x9D00, s0;
	s14 =	sand.u32 $0x70, s7;
	[tilespmem:s6+$0x0] =	vst v8;
	v8 =	vsel vm2, v58, v10;
	v9 =	vmul.f32 $2.500000000e-01, v61;
	v63 =	vsub.f32 $1.000000000e+00, v59  }
0x151: {  	s15 =	sadd.s32 $0x10, s4;
	s19 =	sand.u32 $0x40, s4;
	s5 =	sor.u32 s14, s0;
	vm13 =	vmmov vm5;
	[tilespmem:s11+$0x0] =	vst v8;
	v11 =	vsel vm6, v19, v11;
	v8 =	vsub.f32 $1.000000000e+00, v62  }
0x152: {  	s23 =	sadd.s32 $0x20, s4;
	s28 =	sand.u32 $0x50, s15;
	s29 =	sor.u32 s19, s0;
	vm14 =	vmmov vm4;
	[tilespmem:s5+$0x0] =	vst v11;
	v9 =	vsub.f32 $1.000000000e+00, v9;
	v10 =	vsel vm13, v63, v15  }
0x153: {  	s4 =	sor.u32 s28, s0;
	s3 =	sand.u32 $0x60, s23;
	vm15 =	vmmov vm3;
	[tilespmem:s29+$0x0] =	vst v10;
	v8 =	vsel vm14, v8, v13  }
0x154: {  	s0 =	sor.u32 s3, s0;
	[tilespmem:s4+$0x0] =	vst v8;
	v8 =	vsel vm15, v9, v12  }
0x155: {  	[tilespmem:s0+$0x0] =	vst v8  }
0x156: {  	[spmem:s22] =	stream.linear.scatter [tilespmem:s25], [sflag:$0x4], $0x140, $0x38;
	[tilespmem:$0x10880] =	vst v63  }
0x157: {  	_ =	swait.ge [sflag:s26], $0x140  }
0x158: {  	[sflag:s26] =	ssyncset.done $0x0  }
0x159: {  	[sflag:s26] =	ssyncadd.s32 $0xFFFFFEC0  }
0x15a: {  	_ =	swait.ge [sflag:s12], $0x140  }
0x15b: {  	[sflag:s12] =	ssyncset.done $0x0  }
0x15c: {  	[sflag:s12] =	ssyncadd.s32 $0xFFFFFEC0  }
0x15d: {  	[bflag:$0x0] =	sbarrier.arrive $0xFFFF  }
0x15e: {  	s23 =	simm.s32 $0xC700;
	s30 =	rddreg [dreg:$0x9]  }
0x15f: {  	[tilespmem:s1], [sflag:$0x2] =	stream.linear.gather [spmem:s30], $0x2800, $0x38;
	[tilespmem:$0x10880] =	vst v63  }
0x160: {  	[tilespmem:s23+$0xFFFFFE00] =	vst v3  }
0x161: {  	[tilespmem:s23+$0x1F0] =	vst v3  }
0x162: {  	[tilespmem:s23+$0x1E0] =	vst v3  }
0x163: {  	[tilespmem:s23+$0x1D0] =	vst v3  }
0x164: {  	[tilespmem:s23+$0x1C0] =	vst v3  }
0x165: {  	[tilespmem:s23+$0x1B0] =	vst v3  }
0x166: {  	[tilespmem:s23+$0x1A0] =	vst v3  }
0x167: {  	[tilespmem:s23+$0x190] =	vst v3  }
0x168: {  	[tilespmem:s23+$0x180] =	vst v3  }
0x169: {  	[tilespmem:s23+$0x170] =	vst v3  }
0x16a: {  	[tilespmem:s23+$0x160] =	vst v3  }
0x16b: {  	[tilespmem:s23+$0x150] =	vst v3  }
0x16c: {  	[tilespmem:s23+$0x140] =	vst v3  }
0x16d: {  	[tilespmem:s23+$0x130] =	vst v3  }
0x16e: {  	[tilespmem:s23+$0x120] =	vst v3  }
0x16f: {  	[tilespmem:s23+$0x110] =	vst v3  }
0x170: {  	[tilespmem:s23+$0x100] =	vst v3  }
0x171: {  	[tilespmem:s23+$0xF0] =	vst v3  }
0x172: {  	[tilespmem:s23+$0xE0] =	vst v3  }
0x173: {  	[tilespmem:s23+$0xD0] =	vst v3  }
0x174: {  	[tilespmem:s23+$0xC0] =	vst v3  }
0x175: {  	[tilespmem:s23+$0xB0] =	vst v3  }
0x176: {  	[tilespmem:s23+$0xA0] =	vst v3  }
0x177: {  	[tilespmem:s23+$0x90] =	vst v3  }
0x178: {  	[tilespmem:s23+$0x80] =	vst v3  }
0x179: {  	[tilespmem:s23+$0x70] =	vst v3  }
0x17a: {  	[tilespmem:s23+$0x60] =	vst v3  }
0x17b: {  	[tilespmem:s23+$0x50] =	vst v3  }
0x17c: {  	[tilespmem:s23+$0x40] =	vst v3  }
0x17d: {  	[tilespmem:s23+$0x30] =	vst v3  }
0x17e: {  	[tilespmem:s23+$0x20] =	vst v3  }
0x17f: {  	[tilespmem:s23+$0x10] =	vst v3  }
0x180: {  	[tilespmem:s23+$0x0] =	vst v3  }
0x181: {  	[tilespmem:s23+$0xFFFFFFF0] =	vst v3  }
0x182: {  	[tilespmem:s23+$0xFFFFFFE0] =	vst v3  }
0x183: {  	[tilespmem:s23+$0xFFFFFFD0] =	vst v3  }
0x184: {  	[tilespmem:s23+$0xFFFFFFC0] =	vst v3  }
0x185: {  	[tilespmem:s23+$0xFFFFFFB0] =	vst v3  }
0x186: {  	[tilespmem:s23+$0xFFFFFFA0] =	vst v3  }
0x187: {  	[tilespmem:s23+$0xFFFFFF90] =	vst v3  }
0x188: {  	[tilespmem:s23+$0xFFFFFF80] =	vst v3  }
0x189: {  	[tilespmem:s23+$0xFFFFFF70] =	vst v3  }
0x18a: {  	[tilespmem:s23+$0xFFFFFF60] =	vst v3  }
0x18b: {  	[tilespmem:s23+$0xFFFFFF50] =	vst v3  }
0x18c: {  	[tilespmem:s23+$0xFFFFFF40] =	vst v3  }
0x18d: {  	[tilespmem:s23+$0xFFFFFF30] =	vst v3  }
0x18e: {  	[tilespmem:s23+$0xFFFFFF20] =	vst v3  }
0x18f: {  	[tilespmem:s23+$0xFFFFFF10] =	vst v3  }
0x190: {  	[tilespmem:s23+$0xFFFFFF00] =	vst v3  }
0x191: {  	[tilespmem:s23+$0xFFFFFEF0] =	vst v3  }
0x192: {  	[tilespmem:s23+$0xFFFFFEE0] =	vst v3  }
0x193: {  	[tilespmem:s23+$0xFFFFFED0] =	vst v3  }
0x194: {  	[tilespmem:s23+$0xFFFFFEC0] =	vst v3  }
0x195: {  	[tilespmem:s23+$0xFFFFFEB0] =	vst v3  }
0x196: {  	[tilespmem:s23+$0xFFFFFEA0] =	vst v3  }
0x197: {  	[tilespmem:s23+$0xFFFFFE90] =	vst v3  }
0x198: {  	[tilespmem:s23+$0xFFFFFE80] =	vst v3  }
0x199: {  	[tilespmem:s23+$0xFFFFFE70] =	vst v3  }
0x19a: {  	[tilespmem:s23+$0xFFFFFE60] =	vst v3  }
0x19b: {  	[tilespmem:s23+$0xFFFFFE50] =	vst v3  }
0x19c: {  	[tilespmem:s23+$0xFFFFFE40] =	vst v3  }
0x19d: {  	[tilespmem:s23+$0xFFFFFE30] =	vst v3  }
0x19e: {  	s4 =	simm.s32 $0x0;
	[tilespmem:s23+$0xFFFFFE20] =	vst v3  }
.LBB2_17:
0x19f: {  	s4 =	sadd.s32 $0x8, s4;
	[tilespmem:s23+$0xFFFFFE10] =	vst v3;
	s23 =	sadd.s32 $0x400, s23  }
0x1a0: {  	[tilespmem:s23+$0xFFFFFE00] =	vst v3;
	p1 =	slt.u32 s4, $0x48  }
0x1a1: {  	[tilespmem:s23+$0x1F0] =	vst v3  }
0x1a2: {  	[tilespmem:s23+$0x1E0] =	vst v3  }
0x1a3: {  	[tilespmem:s23+$0x1D0] =	vst v3  }
0x1a4: {  	[tilespmem:s23+$0x1C0] =	vst v3  }
0x1a5: {  	[tilespmem:s23+$0x1B0] =	vst v3  }
0x1a6: {  	[tilespmem:s23+$0x1A0] =	vst v3  }
0x1a7: {  	[tilespmem:s23+$0x190] =	vst v3  }
0x1a8: {  	[tilespmem:s23+$0x180] =	vst v3  }
0x1a9: {  	[tilespmem:s23+$0x170] =	vst v3  }
0x1aa: {  	[tilespmem:s23+$0x160] =	vst v3  }
0x1ab: {  	[tilespmem:s23+$0x150] =	vst v3  }
0x1ac: {  	[tilespmem:s23+$0x140] =	vst v3  }
0x1ad: {  	[tilespmem:s23+$0x130] =	vst v3  }
0x1ae: {  	[tilespmem:s23+$0x120] =	vst v3  }
0x1af: {  	[tilespmem:s23+$0x110] =	vst v3  }
0x1b0: {  	[tilespmem:s23+$0x100] =	vst v3  }
0x1b1: {  	[tilespmem:s23+$0xF0] =	vst v3  }
0x1b2: {  	[tilespmem:s23+$0xE0] =	vst v3  }
0x1b3: {  	[tilespmem:s23+$0xD0] =	vst v3  }
0x1b4: {  	[tilespmem:s23+$0xC0] =	vst v3  }
0x1b5: {  	[tilespmem:s23+$0xB0] =	vst v3  }
0x1b6: {  	[tilespmem:s23+$0xA0] =	vst v3  }
0x1b7: {  	[tilespmem:s23+$0x90] =	vst v3  }
0x1b8: {  	[tilespmem:s23+$0x80] =	vst v3  }
0x1b9: {  	[tilespmem:s23+$0x70] =	vst v3  }
0x1ba: {  	[tilespmem:s23+$0x60] =	vst v3  }
0x1bb: {  	[tilespmem:s23+$0x50] =	vst v3  }
0x1bc: {  	[tilespmem:s23+$0x40] =	vst v3  }
0x1bd: {  	[tilespmem:s23+$0x30] =	vst v3  }
0x1be: {  	[tilespmem:s23+$0x20] =	vst v3  }
0x1bf: {  	[tilespmem:s23+$0x10] =	vst v3  }
0x1c0: {  	[tilespmem:s23+$0x0] =	vst v3  }
0x1c1: {  	[tilespmem:s23+$0xFFFFFFF0] =	vst v3  }
0x1c2: {  	[tilespmem:s23+$0xFFFFFFE0] =	vst v3  }
0x1c3: {  	[tilespmem:s23+$0xFFFFFFD0] =	vst v3  }
0x1c4: {  	[tilespmem:s23+$0xFFFFFFC0] =	vst v3  }
0x1c5: {  	[tilespmem:s23+$0xFFFFFFB0] =	vst v3  }
0x1c6: {  	[tilespmem:s23+$0xFFFFFFA0] =	vst v3  }
0x1c7: {  	[tilespmem:s23+$0xFFFFFF90] =	vst v3  }
0x1c8: {  	[tilespmem:s23+$0xFFFFFF80] =	vst v3  }
0x1c9: {  	[tilespmem:s23+$0xFFFFFF70] =	vst v3  }
0x1ca: {  	[tilespmem:s23+$0xFFFFFF60] =	vst v3  }
0x1cb: {  	[tilespmem:s23+$0xFFFFFF50] =	vst v3  }
0x1cc: {  	[tilespmem:s23+$0xFFFFFF40] =	vst v3  }
0x1cd: {  	[tilespmem:s23+$0xFFFFFF30] =	vst v3  }
0x1ce: {  	[tilespmem:s23+$0xFFFFFF20] =	vst v3  }
0x1cf: {  	[tilespmem:s23+$0xFFFFFF10] =	vst v3  }
0x1d0: {  	[tilespmem:s23+$0xFFFFFF00] =	vst v3  }
0x1d1: {  	[tilespmem:s23+$0xFFFFFEF0] =	vst v3  }
0x1d2: {  	[tilespmem:s23+$0xFFFFFEE0] =	vst v3  }
0x1d3: {  	[tilespmem:s23+$0xFFFFFED0] =	vst v3  }
0x1d4: {  	[tilespmem:s23+$0xFFFFFEC0] =	vst v3  }
0x1d5: {  	[tilespmem:s23+$0xFFFFFEB0] =	vst v3  }
0x1d6: {  	[tilespmem:s23+$0xFFFFFEA0] =	vst v3  }
0x1d7: {  	[tilespmem:s23+$0xFFFFFE90] =	vst v3  }
0x1d8: {  	[tilespmem:s23+$0xFFFFFE80] =	vst v3  }
0x1d9: {  	[tilespmem:s23+$0xFFFFFE70] =	vst v3  }
.Ltmp7:
0x1da: {  	[tilespmem:s23+$0xFFFFFE60] =	vst v3;
	(pc) =	sbr.rel @p1 .LBB2_17-.Ltmp7, $4  }
0x1db: {  	[tilespmem:s23+$0xFFFFFE50] =	vst v3  }
0x1dc: {  	[tilespmem:s23+$0xFFFFFE40] =	vst v3  }
0x1dd: {  	[tilespmem:s23+$0xFFFFFE30] =	vst v3  }
0x1de: {  	[tilespmem:s23+$0xFFFFFE20] =	vst v3  }
0x1df: {  	s20 =	sadd.s32 $0x1, s20  }
0x1e0: {  	p1 =	sne.s32 s20, $0x96  }
.Ltmp8:
0x1e1: {  	_ = 	snop;
	(pc) =	sbr.rel @p1 .LBB2_8-.Ltmp8, $4  }
0x1e2: {  	[tilespmem:s23+$0xFFFFFE10] =	vst v3  }
0x1e3: {  	_ =	swait.ge [sflag:s18], $0x2800  }
0x1e4: {  	[sflag:s18] =	ssyncset.done $0x0  }
0x1e5: {  	[sflag:s18] =	ssyncadd.s32 $0xFFFFD800  }
0x1e6: {  	s0 =	simm.s32 @!p0 $0x0;
	s3 =	simm.s32 @!p0 $0x10200;
	s4 =	rddreg [dreg:$0x10]  }
0x1e7: {  	[tilespmem:s3], [sflag:$0x4] =	stream.linear.gather @!p0 [hbm4b:s4+s0], $0x10, $0x38;
	[tilespmem:$0x10880] =	vst v63  }
0x1e8: {  	s3 =	simm.s32 @!p0 $0x4  }
0x1e9: {  	_ =	swait.ge @!p0 [sflag:s3], $0x10  }
0x1ea: {  	[sflag:s3] =	ssyncset.done @!p0 $0x0  }
0x1eb: {  	s4 =	simm.s32 @!p0 $0x10280;
	s5 =	rddreg [dreg:$0x11];
	[sflag:s3] =	ssyncadd.s32 @!p0 $0xFFFFFFF0  }
0x1ec: {  	[tilespmem:s4], [sflag:$0x4] =	stream.linear.gather @!p0 [hbm4b:s5+s0], $0x10, $0x38;
	[tilespmem:$0x10880] =	vst v63  }
0x1ed: {  	_ =	swait.ge @!p0 [sflag:s3], $0x10  }
0x1ee: {  	[sflag:s3] =	ssyncset.done @!p0 $0x0  }
0x1ef: {  	[sflag:s3] =	ssyncadd.s32 @!p0 $0xFFFFFFF0  }
0x1f0: {  	v8 =	vld @!p0 [tilespmem:$0x10200];
	_ =	sdelay $0x6  }
0x1f1: {  	s4 =	simm.s32 @!p0 $0x9D00;
	v9 =	vld @!p0 [tilespmem:$0x10280]  }
0x1f2: {  	v8 =	vld.idx.msk @!p0 [tilespmem:v8+s4+$0x0], $0xffff;
	_ =	sdelay $0x4  }
0x1f3: {  	v8 =	vmul.f32 @!p0 v9, v8;
	_ =	sdelay $0x1  }
0x1f4: {  	s5 =	rddreg [dreg:$0x12];
	s4 =	simm.s32 @!p0 $0x10300;
	[tilespmem:$0x10300] =	vst @!p0 v8  }
0x1f5: {  	[hbm4b:s5+s0] =	stream.linear.scatter @!p0 [tilespmem:s4], [sflag:$0x4], $0x10, $0x38;
	[tilespmem:$0x10880] =	vst v63  }
0x1f6: {  	_ =	swait.ge @!p0 [sflag:s3], $0x10  }
0x1f7: {  	s29 =	rddreg [dreg:$0x14]  }
0x1f8: {  	s30 =	rddreg [dreg:$0x13];
	s4 =	sadd.s32 $0x1, s29  }
0x1f9: {  	p1 =	sne.s32 s4, s30  }
.Ltmp9:
0x1fa: {  	_ = 	snop;
	(pc) =	sbr.rel @p1 .LBB2_1-.Ltmp9, $3  }
0x1fb: {  	_ =	sdelay $0x1  }
0x1fc: {  	[sflag:s3] =	ssyncset.done @!p0 $0x0  }
0x1fd: {  	s5 =	simm.s32 $0xED00;
	[sflag:s3] =	ssyncadd.s32 @!p0 $0xFFFFFFF0  }
0x1fe: {  	_ =	sfence.sel $0x180000  }
0x1ff: {  	[bflag:$0x0] =	sbarrier.arrive $0xFFFF  }
0x200: {  	_ =	strace $0x90000047  }
0x201: {  	s0 =	stileid.u32;
	[bflag:$0x2] =	sbarrier.arrive $0xFFFF  }
0x202: {  	p0 =	sne.s32 s0, $0x0;
	s0 =	rddreg [dreg:$0xa]  }
0x203: {  	s0 =	sadd.s32 @!p0 $0x100000, s0  }
0x204: {  	[sflag:s0] =	ssyncadd.tile.s32 @!p0 $0x1;
	_ =	shalt  }
.Lfunc_end2:
_tile_overlayer_lowered:
.L_overlay_start_2:
0x205: {  	(tag) =	ssettag $0x2  }
0x206: {  	s0 =	rddreg [dreg:$0x0];
	s2 =	stileid.u32  }
0x207: {  	s1 =	rddreg [dreg:$0x1];
	p0 =	sne.s32 s2, $0x0  }
0x208: {  	s3 =	rddreg [dreg:$0x2];
	[bflag:$0x3] =	sbarrier.arrive $0xFFFF;
	s2 =	simm.s32 @!p0 $0x1C04  }
0x209: {  	[timem:s3], [sflag:s2] =	dma.local @!p0 [hbm:s0], s1  }
0x20a: {  	s0 =	simm.s32 @!p0 $0x4  }
0x20b: {  	_ =	swait.ge @!p0 [sflag:s0], s1  }
0x20c: {  	s1 =	ssub.s32 @!p0 $0x0, s1;
	[sflag:s0] =	ssyncset.done @!p0 $0x0  }
0x20d: {  	[sflag:s0] =	ssyncadd.s32 @!p0 s1  }
0x20e: {  	[bflag:$0x3] =	sbarrier.arrive $0xFFFF  }
0x20f: {  	_ =	shalt  }

</sc_bundles>
